<compile_context>
chip_gen: v7x
topology: tpu7x:2x2x1
jax: 0.10.2.dev20260603
libtpu: 0.0.44.dev20260713+nightly
codegen_flags: <defaults>
</compile_context>

<pallas_src>
import functools

import jax
import jax.numpy as jnp
from jax import lax
from jax.experimental import pallas as pl
from jax.experimental.pallas import tpu as pltpu
from jax.experimental.pallas import tpu_sc as plsc

N_NODES = 10000
D_IN = 128
D_OUT = 128
N_EDGES = 320000

DE = 144
NC = 2
NS = 16
NW = NC * NS
CHUNK = 128
N_CHUNKS = N_EDGES // CHUNK
CH_SC0 = 1248
CH_SC1 = N_CHUNKS - CH_SC0
CH1_BASE = CH_SC1 // NS
CH1_XTRA = CH_SC1 % NS
ACC_ROWS = 10240
ROWS_PER_TILE = ACC_ROWS // NS

_sc_mesh = plsc.VectorSubcoreMesh(
    core_axis_name="c", subcore_axis_name="s", num_cores=NC, num_subcores=NS)


@functools.partial(
    pl.kernel,
    out_type=jax.ShapeDtypeStruct((NC, ACC_ROWS, DE), jnp.float32),
    mesh=_sc_mesh,
    compiler_params=pltpu.CompilerParams(use_tc_tiling_on_sc=False),
    scratch_types=[
        pltpu.VMEM((CHUNK,), jnp.int32),
        pltpu.VMEM((CHUNK,), jnp.int32),
        pltpu.VMEM((CHUNK,), jnp.int32),
        pltpu.VMEM((CHUNK,), jnp.int32),
        pltpu.VMEM((CHUNK, DE), jnp.float32),
        pltpu.VMEM((CHUNK, DE), jnp.float32),
        pltpu.SemaphoreType.DMA,
        pltpu.SemaphoreType.DMA,
        pltpu.VMEM_SHARED((ACC_ROWS, DE), jnp.float32),
    ],
)
def _sc_aggregate(featext_hbm, edges_hbm, zeros_hbm, out_hbm,
                  src0, dst0, src1, dst1, rows0, rows1, gsem, isem, acc_sh):
    c = lax.axis_index("c")
    s = lax.axis_index("s")
    n_chunks = jnp.where(c == 0, CH_SC0 // NS, CH1_BASE + 2 * (s < CH1_XTRA // 2))
    chunk0 = jnp.where(c == 0, s * (CH_SC0 // NS),
                       CH_SC0 + s * CH1_BASE + 2 * jnp.minimum(s, CH1_XTRA // 2))

    def load_idx(k, sv, dv):
        base = (chunk0 + k) * CHUNK
        pltpu.async_copy(edges_hbm.at[0, pl.ds(base, CHUNK)], sv, isem)
        pltpu.async_copy(edges_hbm.at[1, pl.ds(base, CHUNK)], dv, isem)

    def wait_idx(sv, dv):
        pltpu.make_async_copy(edges_hbm.at[0, pl.ds(0, CHUNK)], sv, isem).wait()
        pltpu.make_async_copy(edges_hbm.at[1, pl.ds(0, CHUNK)], dv, isem).wait()

    def wait_rows(sv, buf):
        pltpu.make_async_copy(featext_hbm.at[sv], buf, gsem).wait()

    pltpu.sync_copy(zeros_hbm, acc_sh.at[pl.ds(s * ROWS_PER_TILE, ROWS_PER_TILE)])
    plsc.subcore_barrier()

    pltpu.sync_copy(edges_hbm.at[0, pl.ds(chunk0 * CHUNK, CHUNK)], src0)
    pltpu.sync_copy(edges_hbm.at[1, pl.ds(chunk0 * CHUNK, CHUNK)], dst0)
    pltpu.async_copy(featext_hbm.at[src0], rows0, gsem)
    load_idx(1, src1, dst1)

    def body(j2, carry):
        j = 2 * j2
        wait_idx(src1, dst1)
        wait_rows(src0, rows0)
        pltpu.async_copy(featext_hbm.at[src1], rows1, gsem)
        pltpu.sync_copy(rows0, acc_sh.at[dst0], add=True)

        @pl.when(j + 2 < n_chunks)
        def _():
            load_idx(j + 2, src0, dst0)

        wait_rows(src1, rows1)

        @pl.when(j + 2 < n_chunks)
        def _():
            wait_idx(src0, dst0)
            pltpu.async_copy(featext_hbm.at[src0], rows0, gsem)

        pltpu.sync_copy(rows1, acc_sh.at[dst1], add=True)

        @pl.when(j + 3 < n_chunks)
        def _():
            load_idx(j + 3, src1, dst1)

        return carry

    lax.fori_loop(0, n_chunks // 2, body, 0)
    plsc.subcore_barrier()

    pltpu.sync_copy(acc_sh.at[pl.ds(s * ROWS_PER_TILE, ROWS_PER_TILE)],
                    out_hbm.at[c, pl.ds(s * ROWS_PER_TILE, ROWS_PER_TILE)])


_DN = (((1,), (1,)), ((), ()))
_BLK = 2000


def _tc_self_body(x_ref, ws_ref, b_ref, o_ref):
    o_ref[...] = lax.dot_general(x_ref[...], ws_ref[...], _DN,
                                 preferred_element_type=jnp.float32) + b_ref[...]


def _tc_self(feat, w_self, b2):
    return pl.pallas_call(
        _tc_self_body,
        grid=(N_NODES // _BLK,),
        in_specs=[
            pl.BlockSpec((_BLK, D_IN), lambda i: (i, 0)),
            pl.BlockSpec((D_OUT, D_IN), lambda i: (0, 0)),
            pl.BlockSpec((1, D_OUT), lambda i: (0, 0)),
        ],
        out_specs=pl.BlockSpec((_BLK, D_OUT), lambda i: (i, 0)),
        out_shape=jax.ShapeDtypeStruct((N_NODES, D_OUT), jnp.float32),
    )(feat, w_self, b2)


def _tc_combine_body(p0_ref, p1_ref, wn_ref, s_ref, o_ref):
    p = p0_ref[...] + p1_ref[...]
    h_neigh = p[:, :D_IN] / jnp.maximum(p[:, D_IN:D_IN + 1], 1.0)
    o_ref[...] = lax.dot_general(h_neigh, wn_ref[...], _DN,
                                 preferred_element_type=jnp.float32) + s_ref[...]


def _tc_combine(p0, p1, w_neigh, self_part):
    return pl.pallas_call(
        _tc_combine_body,
        grid=(N_NODES // _BLK,),
        in_specs=[
            pl.BlockSpec((_BLK, DE), lambda i: (i, 0)),
            pl.BlockSpec((_BLK, DE), lambda i: (i, 0)),
            pl.BlockSpec((D_OUT, D_IN), lambda i: (0, 0)),
            pl.BlockSpec((_BLK, D_OUT), lambda i: (i, 0)),
        ],
        out_specs=pl.BlockSpec((_BLK, D_OUT), lambda i: (i, 0)),
        out_shape=jax.ShapeDtypeStruct((N_NODES, D_OUT), jnp.float32),
    )(p0, p1, w_neigh, self_part)


def kernel(feat, edge_index, W_self, W_neigh, b_neigh):
    ones_col = (jnp.arange(DE, dtype=jnp.int32) == D_IN).astype(jnp.float32)
    feat_ext = jnp.pad(feat, ((0, 0), (0, DE - D_IN))) + ones_col[None, :]
    zeros_tile = jnp.zeros((ROWS_PER_TILE, DE), jnp.float32)

    b2 = b_neigh.reshape(1, D_OUT)
    self_part = _tc_self(feat, W_self, b2)
    partials = _sc_aggregate(feat_ext, edge_index, zeros_tile)
    return _tc_combine(partials[0], partials[1], W_neigh, self_part)

# --- scband reference (transcript-rebuilt; emitter-appended) ---
"""Pipeline reference for scband-sageconv-44659069944022 (READ-ONLY COPY).

The authoritative reference and input builder live on the scoring server;
editing this copy changes nothing except your own understanding.
"""

import jax, jax.numpy as jnp
import numpy as np

N_NODES = 10000
N_EDGES = 320000
D_IN = 128
D_OUT = 128


def _xavier_uniform(key, shape, gain):
    fan_out, fan_in = shape
    limit = gain * np.sqrt(6.0 / (fan_in + fan_out))
    return jax.random.uniform(key, shape, jnp.float32, -limit, limit)


def setup_inputs(seed: int = 0) -> dict:
    key = jax.random.key(seed)
    k1, k2, k3, k4 = jax.random.split(key, 4)
    feat = jax.random.normal(k1, (N_NODES, D_IN), dtype=jnp.float32)
    edge_index = jax.random.randint(k2, (2, N_EDGES), 0, N_NODES, dtype=jnp.int32)
    gain = np.sqrt(2.0)  # calculate_gain('relu')
    W_self = _xavier_uniform(k3, (D_OUT, D_IN), gain)   # fc_self.weight, no bias
    W_neigh = _xavier_uniform(k4, (D_OUT, D_IN), gain)  # fc_neigh.weight
    b_neigh = jnp.zeros((D_OUT,), jnp.float32)          # fc_neigh.bias
    return {"feat": feat, "edge_index": edge_index, "W_self": W_self, "W_neigh": W_neigh, "b_neigh": b_neigh}


def reference(feat, edge_index, W_self, W_neigh, b_neigh):
    # feat_drop is identity (p=0.0); feat_src = feat_dst = feat
    src = edge_index[0]
    dst = edge_index[1]
    # message passing: copy_src('h','m') then mean('m','neigh')
    msgs = jnp.take(feat, src, axis=0)                               # gather [E, D_in]
    neigh_sum = jax.ops.segment_sum(msgs, dst, num_segments=N_NODES)  # scatter-add
    deg = jax.ops.segment_sum(jnp.ones((N_EDGES,), feat.dtype), dst, num_segments=N_NODES)
    h_neigh = neigh_sum / jnp.maximum(deg, 1.0)[:, None]              # mean aggregation
    # rst = fc_self(h_self) + fc_neigh(h_neigh)  (standard DGL SAGEConv combine)
    rst = feat @ W_self.T + h_neigh @ W_neigh.T + b_neigh
    # activation is None
    return rst

if __name__ == "__main__":
    import jax
    _d = setup_inputs()
    print(jax.jit(kernel)(*tuple(_d.values())))

</pallas_src>

<mosaic_0001>
#map = affine_map<(d0, d1) -> (0, 0)>
#map1 = affine_map<(d0, d1) -> (0, 0, 0)>
module attributes {stable_mosaic.version = 14 : i64} {
  func.func @_sc_aggregate(%arg0: i32, %arg1: i32, %arg2: memref<10000x144xf32, #tpu.memory_space<hbm>>, %arg3: memref<2x320000xi32, #tpu.memory_space<hbm>>, %arg4: memref<640x144xf32, #tpu.memory_space<hbm>>, %arg5: memref<2x10240x144xf32, #tpu.memory_space<hbm>>, %arg6: memref<128xi32, #tpu.memory_space<vmem>>, %arg7: memref<128xi32, #tpu.memory_space<vmem>>, %arg8: memref<128xi32, #tpu.memory_space<vmem>>, %arg9: memref<128xi32, #tpu.memory_space<vmem>>, %arg10: memref<128x144xf32, #tpu.memory_space<vmem>>, %arg11: memref<128x144xf32, #tpu.memory_space<vmem>>, %arg12: memref<!tpu.dma_semaphore, #tpu.memory_space<semaphore_mem>>, %arg13: memref<!tpu.dma_semaphore, #tpu.memory_space<semaphore_mem>>, %arg14: memref<10240x144xf32, #tpu.memory_space<vmem_shared>>) attributes {dimension_semantics = [#tpu.dimension_semantics<core_parallel>, #tpu.dimension_semantics<subcore_parallel>], iteration_bounds = array<i64: 2, 16>, scalar_prefetch = 0 : i64, scratch_operands = 9 : i64, tpu.core_type = #tpu.core_type<sc_vector_subcore>, window_params = [{transform_indices = #map}, {transform_indices = #map}, {transform_indices = #map}, {transform_indices = #map1}]} {
    %eq3A = arith.constant 0 : i32
    %eq3A_0 = arith.cmpi eq, %arg0, %eq3A : i32
    %lt3A = arith.constant 2 : i32
    %lt3A_1 = arith.cmpi slt, %arg1, %lt3A : i32
    %convert_element_type3A = arith.extui %lt3A_1 : i1 to i32
    %mul3A = arith.constant 2 : i32
    %mul3A_2 = arith.muli %mul3A, %convert_element_type3A : i32
    %add3A = arith.constant 78 : i32
    %add3A_3 = arith.addi %add3A, %mul3A_2 : i32
    %jit3A = arith.constant 78 : i32
    %select_n3A = arith.select %eq3A_0, %jit3A, %add3A_3 : i32
    %eq3A_4 = arith.constant 0 : i32
    %eq3A_5 = arith.cmpi eq, %arg0, %eq3A_4 : i32
    %mul3A_6 = arith.constant 78 : i32
    %mul3A_7 = arith.muli %arg1, %mul3A_6 : i32
    %mul3A_8 = arith.constant 78 : i32
    %mul3A_9 = arith.muli %arg1, %mul3A_8 : i32
    %add3A_10 = arith.constant 1248 : i32
    %add3A_11 = arith.addi %add3A_10, %mul3A_9 : i32
    %min3A = arith.constant 2 : i32
    %min3A_12 = arith.minsi %arg1, %min3A : i32
    %mul3A_13 = arith.constant 2 : i32
    %mul3A_14 = arith.muli %mul3A_13, %min3A_12 : i32
    %add3A_15 = arith.addi %add3A_11, %mul3A_14 : i32
    %select_n3A_16 = arith.select %eq3A_5, %mul3A_7, %add3A_15 : i32
    %mul3A_17 = arith.constant 640 : i32
    %mul3A_18 = arith.muli %arg1, %mul3A_17 : i32
    "tpu.region"() ({
      %run_scoped3A_72 = tpu.sem_alloc : memref<!tpu.dma_semaphore, #tpu.memory_space<semaphore_mem>>
      %dma_start3A_73 = arith.constant 0 : i32
      %dma_start3A_74 = tpu.memref_slice %arg14[%mul3A_18, %dma_start3A_73] : memref<10240x144xf32, #tpu.memory_space<vmem_shared>> -> memref<640x144xf32, #tpu.memory_space<vmem_shared>>
      tpu.enqueue_dma source(%arg4 : memref<640x144xf32, #tpu.memory_space<hbm>>) target(%dma_start3A_74 : memref<640x144xf32, #tpu.memory_space<vmem_shared>>) target_semaphore(%run_scoped3A_72 : memref<!tpu.dma_semaphore, #tpu.memory_space<semaphore_mem>>)
      %dma_wait3A = arith.constant 0 : i32
      %dma_wait3A_75 = tpu.memref_slice %arg14[%mul3A_18, %dma_wait3A] : memref<10240x144xf32, #tpu.memory_space<vmem_shared>> -> memref<640x144xf32, #tpu.memory_space<vmem_shared>>
      tpu.wait_dma2 semaphore(%run_scoped3A_72 : memref<!tpu.dma_semaphore, #tpu.memory_space<semaphore_mem>>) src(%arg4 : memref<640x144xf32, #tpu.memory_space<hbm>>) dst(%dma_wait3A_75 : memref<640x144xf32, #tpu.memory_space<vmem_shared>>)
      tpu.yield
    }) : () -> ()
    %barrier3A = arith.constant 0 : index
    tpu.barrier barrier_id(%barrier3A)
    %mul3A_19 = arith.constant 128 : i32
    %mul3A_20 = arith.muli %select_n3A_16, %mul3A_19 : i32
    %run_scoped3A = arith.constant 0 : i32
    "tpu.region"() ({
      %run_scoped3A_72 = tpu.sem_alloc : memref<!tpu.dma_semaphore, #tpu.memory_space<semaphore_mem>>
      %dma_start3A_73 = tpu.memref_slice %arg3[%run_scoped3A, %mul3A_20] : memref<2x320000xi32, #tpu.memory_space<hbm>> -> memref<1x128xi32, #tpu.memory_space<hbm>>
      %dma_start3A_74 = tpu.memref_squeeze %dma_start3A_73 : memref<1x128xi32, #tpu.memory_space<hbm>> -> memref<128xi32, #tpu.memory_space<hbm>>
      %dma_start3A_75 = tpu.memref_slice %arg3[%run_scoped3A, %mul3A_20] : memref<2x320000xi32, #tpu.memory_space<hbm>> -> memref<1x128xi32, #tpu.memory_space<hbm>>
      %dma_start3A_76 = tpu.memref_squeeze %dma_start3A_75 : memref<1x128xi32, #tpu.memory_space<hbm>> -> memref<128xi32, #tpu.memory_space<hbm>>
      tpu.enqueue_dma source(%dma_start3A_76 : memref<128xi32, #tpu.memory_space<hbm>>) target(%arg6 : memref<128xi32, #tpu.memory_space<vmem>>) target_semaphore(%run_scoped3A_72 : memref<!tpu.dma_semaphore, #tpu.memory_space<semaphore_mem>>)
      %dma_wait3A = tpu.memref_slice %arg3[%run_scoped3A, %mul3A_20] : memref<2x320000xi32, #tpu.memory_space<hbm>> -> memref<1x128xi32, #tpu.memory_space<hbm>>
      %dma_wait3A_77 = tpu.memref_squeeze %dma_wait3A : memref<1x128xi32, #tpu.memory_space<hbm>> -> memref<128xi32, #tpu.memory_space<hbm>>
      %dma_wait3A_78 = tpu.memref_slice %arg3[%run_scoped3A, %mul3A_20] : memref<2x320000xi32, #tpu.memory_space<hbm>> -> memref<1x128xi32, #tpu.memory_space<hbm>>
      %dma_wait3A_79 = tpu.memref_squeeze %dma_wait3A_78 : memref<1x128xi32, #tpu.memory_space<hbm>> -> memref<128xi32, #tpu.memory_space<hbm>>
      tpu.wait_dma2 semaphore(%run_scoped3A_72 : memref<!tpu.dma_semaphore, #tpu.memory_space<semaphore_mem>>) src(%dma_wait3A_79 : memref<128xi32, #tpu.memory_space<hbm>>) dst(%arg6 : memref<128xi32, #tpu.memory_space<vmem>>)
      tpu.yield
    }) : () -> ()
    %mul3A_21 = arith.constant 128 : i32
    %mul3A_22 = arith.muli %select_n3A_16, %mul3A_21 : i32
    %run_scoped3A_23 = arith.constant 1 : i32
    "tpu.region"() ({
      %run_scoped3A_72 = tpu.sem_alloc : memref<!tpu.dma_semaphore, #tpu.memory_space<semaphore_mem>>
      %dma_start3A_73 = tpu.memref_slice %arg3[%run_scoped3A_23, %mul3A_22] : memref<2x320000xi32, #tpu.memory_space<hbm>> -> memref<1x128xi32, #tpu.memory_space<hbm>>
      %dma_start3A_74 = tpu.memref_squeeze %dma_start3A_73 : memref<1x128xi32, #tpu.memory_space<hbm>> -> memref<128xi32, #tpu.memory_space<hbm>>
      %dma_start3A_75 = tpu.memref_slice %arg3[%run_scoped3A_23, %mul3A_22] : memref<2x320000xi32, #tpu.memory_space<hbm>> -> memref<1x128xi32, #tpu.memory_space<hbm>>
      %dma_start3A_76 = tpu.memref_squeeze %dma_start3A_75 : memref<1x128xi32, #tpu.memory_space<hbm>> -> memref<128xi32, #tpu.memory_space<hbm>>
      tpu.enqueue_dma source(%dma_start3A_76 : memref<128xi32, #tpu.memory_space<hbm>>) target(%arg7 : memref<128xi32, #tpu.memory_space<vmem>>) target_semaphore(%run_scoped3A_72 : memref<!tpu.dma_semaphore, #tpu.memory_space<semaphore_mem>>)
      %dma_wait3A = tpu.memref_slice %arg3[%run_scoped3A_23, %mul3A_22] : memref<2x320000xi32, #tpu.memory_space<hbm>> -> memref<1x128xi32, #tpu.memory_space<hbm>>
      %dma_wait3A_77 = tpu.memref_squeeze %dma_wait3A : memref<1x128xi32, #tpu.memory_space<hbm>> -> memref<128xi32, #tpu.memory_space<hbm>>
      %dma_wait3A_78 = tpu.memref_slice %arg3[%run_scoped3A_23, %mul3A_22] : memref<2x320000xi32, #tpu.memory_space<hbm>> -> memref<1x128xi32, #tpu.memory_space<hbm>>
      %dma_wait3A_79 = tpu.memref_squeeze %dma_wait3A_78 : memref<1x128xi32, #tpu.memory_space<hbm>> -> memref<128xi32, #tpu.memory_space<hbm>>
      tpu.wait_dma2 semaphore(%run_scoped3A_72 : memref<!tpu.dma_semaphore, #tpu.memory_space<semaphore_mem>>) src(%dma_wait3A_79 : memref<128xi32, #tpu.memory_space<hbm>>) dst(%arg7 : memref<128xi32, #tpu.memory_space<vmem>>)
      tpu.yield
    }) : () -> ()
    %dma_start3A = arith.constant 0 : i32
    %dma_start3A_24 = arith.constant 0 : i32
    %dma_start3A_25 = tpu.memref_slice %arg2[%dma_start3A, %dma_start3A_24] : memref<10000x144xf32, #tpu.memory_space<hbm>> -> memref<10000x144xf32, #tpu.memory_space<hbm>>
    tpu.enqueue_indirect_dma source(%dma_start3A_25 : memref<10000x144xf32, #tpu.memory_space<hbm>>) target(%arg10 : memref<128x144xf32, #tpu.memory_space<vmem>>) offsets(%arg6 : memref<128xi32, #tpu.memory_space<vmem>>) semaphore(%arg12 : memref<!tpu.dma_semaphore, #tpu.memory_space<semaphore_mem>>)
    %add3A_26 = arith.constant 1 : i32
    %add3A_27 = arith.addi %select_n3A_16, %add3A_26 : i32
    %mul3A_28 = arith.constant 128 : i32
    %mul3A_29 = arith.muli %add3A_27, %mul3A_28 : i32
    %dma_start3A_30 = arith.constant 0 : i32
    %dma_start3A_31 = tpu.memref_slice %arg3[%dma_start3A_30, %mul3A_29] : memref<2x320000xi32, #tpu.memory_space<hbm>> -> memref<1x128xi32, #tpu.memory_space<hbm>>
    %dma_start3A_32 = tpu.memref_squeeze %dma_start3A_31 : memref<1x128xi32, #tpu.memory_space<hbm>> -> memref<128xi32, #tpu.memory_space<hbm>>
    %dma_start3A_33 = tpu.memref_slice %arg3[%dma_start3A_30, %mul3A_29] : memref<2x320000xi32, #tpu.memory_space<hbm>> -> memref<1x128xi32, #tpu.memory_space<hbm>>
    %dma_start3A_34 = tpu.memref_squeeze %dma_start3A_33 : memref<1x128xi32, #tpu.memory_space<hbm>> -> memref<128xi32, #tpu.memory_space<hbm>>
    tpu.enqueue_dma source(%dma_start3A_34 : memref<128xi32, #tpu.memory_space<hbm>>) target(%arg8 : memref<128xi32, #tpu.memory_space<vmem>>) target_semaphore(%arg13 : memref<!tpu.dma_semaphore, #tpu.memory_space<semaphore_mem>>)
    %dma_start3A_35 = arith.constant 1 : i32
    %dma_start3A_36 = tpu.memref_slice %arg3[%dma_start3A_35, %mul3A_29] : memref<2x320000xi32, #tpu.memory_space<hbm>> -> memref<1x128xi32, #tpu.memory_space<hbm>>
    %dma_start3A_37 = tpu.memref_squeeze %dma_start3A_36 : memref<1x128xi32, #tpu.memory_space<hbm>> -> memref<128xi32, #tpu.memory_space<hbm>>
    %dma_start3A_38 = tpu.memref_slice %arg3[%dma_start3A_35, %mul3A_29] : memref<2x320000xi32, #tpu.memory_space<hbm>> -> memref<1x128xi32, #tpu.memory_space<hbm>>
    %dma_start3A_39 = tpu.memref_squeeze %dma_start3A_38 : memref<1x128xi32, #tpu.memory_space<hbm>> -> memref<128xi32, #tpu.memory_space<hbm>>
    tpu.enqueue_dma source(%dma_start3A_39 : memref<128xi32, #tpu.memory_space<hbm>>) target(%arg9 : memref<128xi32, #tpu.memory_space<vmem>>) target_semaphore(%arg13 : memref<!tpu.dma_semaphore, #tpu.memory_space<semaphore_mem>>)
    %jit3A_40 = arith.constant 2 : i32
    %div3A = arith.divsi %select_n3A, %jit3A_40 : i32
    %sign3A = arith.constant 0 : i32
    %sign3A_41 = arith.cmpi sgt, %select_n3A, %sign3A : i32
    %sign3A_42 = arith.extui %sign3A_41 : i1 to i32
    %sign3A_43 = arith.constant 0 : i32
    %sign3A_44 = arith.cmpi slt, %select_n3A, %sign3A_43 : i32
    %sign3A_45 = arith.extui %sign3A_44 : i1 to i32
    %sign3A_46 = arith.subi %sign3A_42, %sign3A_45 : i32
    %sign3A_47 = arith.constant 0 : i32
    %sign3A_48 = arith.cmpi sgt, %jit3A_40, %sign3A_47 : i32
    %sign3A_49 = arith.extui %sign3A_48 : i1 to i32
    %sign3A_50 = arith.constant 0 : i32
    %sign3A_51 = arith.cmpi slt, %jit3A_40, %sign3A_50 : i32
    %sign3A_52 = arith.extui %sign3A_51 : i1 to i32
    %sign3A_53 = arith.subi %sign3A_49, %sign3A_52 : i32
    %ne3A = arith.cmpi ne, %sign3A_46, %sign3A_53 : i32
    %rem3A = arith.remsi %select_n3A, %jit3A_40 : i32
    %ne3A_54 = arith.constant 0 : i32
    %ne3A_55 = arith.cmpi ne, %rem3A, %ne3A_54 : i32
    %and3A = arith.andi %ne3A, %ne3A_55 : i1
    %sub3A = arith.constant 1 : i32
    %sub3A_56 = arith.subi %div3A, %sub3A : i32
    %select_n3A_57 = arith.select %and3A, %sub3A_56, %div3A : i32
    %while3A = arith.constant 0 : i32
    %while3A_58 = arith.constant 0 : i32
    %while3A_59 = arith.subi %select_n3A_57, %while3A_58 : i32
    %while3A_60 = arith.addi %while3A_58, %while3A_59 : i32
    %while3A_61 = arith.constant 1 : i32
    %while3A_62 = arith.divsi %while3A_59, %while3A_61 : i32
    %while3A_63 = arith.muli %while3A_62, %while3A_61 : i32
    %while3A_64 = arith.addi %while3A_58, %while3A_63 : i32
    %while3A_65 = arith.constant 1 : i32
    scf.for %while3A_72 = %while3A_58 to %while3A_64 step %while3A_65  : i32 {
      %mul3A_73 = arith.constant 2 : i32
      %mul3A_74 = arith.muli %mul3A_73, %while3A_72 : i32
      %dma_wait3A = arith.constant 0 : i32
      %dma_wait3A_75 = arith.constant 0 : i32
      %dma_wait3A_76 = tpu.memref_slice %arg3[%dma_wait3A, %dma_wait3A_75] : memref<2x320000xi32, #tpu.memory_space<hbm>> -> memref<1x128xi32, #tpu.memory_space<hbm>>
      %dma_wait3A_77 = tpu.memref_squeeze %dma_wait3A_76 : memref<1x128xi32, #tpu.memory_space<hbm>> -> memref<128xi32, #tpu.memory_space<hbm>>
      %dma_wait3A_78 = arith.constant 0 : i32
      %dma_wait3A_79 = tpu.memref_slice %arg3[%dma_wait3A, %dma_wait3A_78] : memref<2x320000xi32, #tpu.memory_space<hbm>> -> memref<1x128xi32, #tpu.memory_space<hbm>>
      %dma_wait3A_80 = tpu.memref_squeeze %dma_wait3A_79 : memref<1x128xi32, #tpu.memory_space<hbm>> -> memref<128xi32, #tpu.memory_space<hbm>>
      tpu.wait_dma2 semaphore(%arg13 : memref<!tpu.dma_semaphore, #tpu.memory_space<semaphore_mem>>) src(%dma_wait3A_80 : memref<128xi32, #tpu.memory_space<hbm>>) dst(%arg8 : memref<128xi32, #tpu.memory_space<vmem>>)
      %dma_wait3A_81 = arith.constant 1 : i32
      %dma_wait3A_82 = arith.constant 0 : i32
      %dma_wait3A_83 = tpu.memref_slice %arg3[%dma_wait3A_81, %dma_wait3A_82] : memref<2x320000xi32, #tpu.memory_space<hbm>> -> memref<1x128xi32, #tpu.memory_space<hbm>>
      %dma_wait3A_84 = tpu.memref_squeeze %dma_wait3A_83 : memref<1x128xi32, #tpu.memory_space<hbm>> -> memref<128xi32, #tpu.memory_space<hbm>>
      %dma_wait3A_85 = arith.constant 0 : i32
      %dma_wait3A_86 = tpu.memref_slice %arg3[%dma_wait3A_81, %dma_wait3A_85] : memref<2x320000xi32, #tpu.memory_space<hbm>> -> memref<1x128xi32, #tpu.memory_space<hbm>>
      %dma_wait3A_87 = tpu.memref_squeeze %dma_wait3A_86 : memref<1x128xi32, #tpu.memory_space<hbm>> -> memref<128xi32, #tpu.memory_space<hbm>>
      tpu.wait_dma2 semaphore(%arg13 : memref<!tpu.dma_semaphore, #tpu.memory_space<semaphore_mem>>) src(%dma_wait3A_87 : memref<128xi32, #tpu.memory_space<hbm>>) dst(%arg9 : memref<128xi32, #tpu.memory_space<vmem>>)
      %dma_wait3A_88 = arith.constant 0 : i32
      %dma_wait3A_89 = arith.constant 0 : i32
      %dma_wait3A_90 = tpu.memref_slice %arg2[%dma_wait3A_88, %dma_wait3A_89] : memref<10000x144xf32, #tpu.memory_space<hbm>> -> memref<10000x144xf32, #tpu.memory_space<hbm>>
      tpu.wait_indirect_dma semaphore(%arg12 : memref<!tpu.dma_semaphore, #tpu.memory_space<semaphore_mem>>) src(%dma_wait3A_90 : memref<10000x144xf32, #tpu.memory_space<hbm>>) dst(%arg10 : memref<128x144xf32, #tpu.memory_space<vmem>>)
      %dma_start3A_91 = arith.constant 0 : i32
      %dma_start3A_92 = arith.constant 0 : i32
      %dma_start3A_93 = tpu.memref_slice %arg2[%dma_start3A_91, %dma_start3A_92] : memref<10000x144xf32, #tpu.memory_space<hbm>> -> memref<10000x144xf32, #tpu.memory_space<hbm>>
      tpu.enqueue_indirect_dma source(%dma_start3A_93 : memref<10000x144xf32, #tpu.memory_space<hbm>>) target(%arg11 : memref<128x144xf32, #tpu.memory_space<vmem>>) offsets(%arg8 : memref<128xi32, #tpu.memory_space<vmem>>) semaphore(%arg12 : memref<!tpu.dma_semaphore, #tpu.memory_space<semaphore_mem>>)
      "tpu.region"() ({
        %run_scoped3A_114 = tpu.sem_alloc : memref<!tpu.dma_semaphore, #tpu.memory_space<semaphore_mem>>
        %dma_start3A_115 = arith.constant 0 : i32
        %dma_start3A_116 = arith.constant 0 : i32
        %dma_start3A_117 = tpu.memref_slice %arg14[%dma_start3A_115, %dma_start3A_116] : memref<10240x144xf32, #tpu.memory_space<vmem_shared>> -> memref<10240x144xf32, #tpu.memory_space<vmem_shared>>
        tpu.enqueue_indirect_dma source(%arg10 : memref<128x144xf32, #tpu.memory_space<vmem>>) target(%dma_start3A_117 : memref<10240x144xf32, #tpu.memory_space<vmem_shared>>) offsets(%arg7 : memref<128xi32, #tpu.memory_space<vmem>>) semaphore(%run_scoped3A_114 : memref<!tpu.dma_semaphore, #tpu.memory_space<semaphore_mem>>) {add = true}
        %dma_wait3A_118 = arith.constant 0 : i32
        %dma_wait3A_119 = arith.constant 0 : i32
        %dma_wait3A_120 = tpu.memref_slice %arg14[%dma_wait3A_118, %dma_wait3A_119] : memref<10240x144xf32, #tpu.memory_space<vmem_shared>> -> memref<10240x144xf32, #tpu.memory_space<vmem_shared>>
        tpu.wait_indirect_dma semaphore(%run_scoped3A_114 : memref<!tpu.dma_semaphore, #tpu.memory_space<semaphore_mem>>) src(%arg10 : memref<128x144xf32, #tpu.memory_space<vmem>>) dst(%dma_wait3A_120 : memref<10240x144xf32, #tpu.memory_space<vmem_shared>>)
        tpu.yield
      }) : () -> ()
      %add3A_94 = arith.constant 2 : i32
      %add3A_95 = arith.addi %mul3A_74, %add3A_94 : i32
      %lt3A_96 = arith.cmpi slt, %add3A_95, %select_n3A : i32
      %convert_element_type3A_97 = arith.extui %lt3A_96 : i1 to i32
      %cond3A = arith.constant 0 : i32
      %cond3A_98 = arith.cmpi ne, %convert_element_type3A_97, %cond3A : i32
      scf.if %cond3A_98 {
        %add3A_114 = arith.constant 2 : i32
        %add3A_115 = arith.addi %mul3A_74, %add3A_114 : i32
        %add3A_116 = arith.addi %select_n3A_16, %add3A_115 : i32
        %mul3A_117 = arith.constant 128 : i32
        %mul3A_118 = arith.muli %add3A_116, %mul3A_117 : i32
        %dma_start3A_119 = arith.constant 0 : i32
        %dma_start3A_120 = tpu.memref_slice %arg3[%dma_start3A_119, %mul3A_118] : memref<2x320000xi32, #tpu.memory_space<hbm>> -> memref<1x128xi32, #tpu.memory_space<hbm>>
        %dma_start3A_121 = tpu.memref_squeeze %dma_start3A_120 : memref<1x128xi32, #tpu.memory_space<hbm>> -> memref<128xi32, #tpu.memory_space<hbm>>
        %dma_start3A_122 = tpu.memref_slice %arg3[%dma_start3A_119, %mul3A_118] : memref<2x320000xi32, #tpu.memory_space<hbm>> -> memref<1x128xi32, #tpu.memory_space<hbm>>
        %dma_start3A_123 = tpu.memref_squeeze %dma_start3A_122 : memref<1x128xi32, #tpu.memory_space<hbm>> -> memref<128xi32, #tpu.memory_space<hbm>>
        tpu.enqueue_dma source(%dma_start3A_123 : memref<128xi32, #tpu.memory_space<hbm>>) target(%arg6 : memref<128xi32, #tpu.memory_space<vmem>>) target_semaphore(%arg13 : memref<!tpu.dma_semaphore, #tpu.memory_space<semaphore_mem>>)
        %dma_start3A_124 = arith.constant 1 : i32
        %dma_start3A_125 = tpu.memref_slice %arg3[%dma_start3A_124, %mul3A_118] : memref<2x320000xi32, #tpu.memory_space<hbm>> -> memref<1x128xi32, #tpu.memory_space<hbm>>
        %dma_start3A_126 = tpu.memref_squeeze %dma_start3A_125 : memref<1x128xi32, #tpu.memory_space<hbm>> -> memref<128xi32, #tpu.memory_space<hbm>>
        %dma_start3A_127 = tpu.memref_slice %arg3[%dma_start3A_124, %mul3A_118] : memref<2x320000xi32, #tpu.memory_space<hbm>> -> memref<1x128xi32, #tpu.memory_space<hbm>>
        %dma_start3A_128 = tpu.memref_squeeze %dma_start3A_127 : memref<1x128xi32, #tpu.memory_space<hbm>> -> memref<128xi32, #tpu.memory_space<hbm>>
        tpu.enqueue_dma source(%dma_start3A_128 : memref<128xi32, #tpu.memory_space<hbm>>) target(%arg7 : memref<128xi32, #tpu.memory_space<vmem>>) target_semaphore(%arg13 : memref<!tpu.dma_semaphore, #tpu.memory_space<semaphore_mem>>)
      } else {
      }
      %dma_wait3A_99 = arith.constant 0 : i32
      %dma_wait3A_100 = arith.constant 0 : i32
      %dma_wait3A_101 = tpu.memref_slice %arg2[%dma_wait3A_99, %dma_wait3A_100] : memref<10000x144xf32, #tpu.memory_space<hbm>> -> memref<10000x144xf32, #tpu.memory_space<hbm>>
      tpu.wait_indirect_dma semaphore(%arg12 : memref<!tpu.dma_semaphore, #tpu.memory_space<semaphore_mem>>) src(%dma_wait3A_101 : memref<10000x144xf32, #tpu.memory_space<hbm>>) dst(%arg11 : memref<128x144xf32, #tpu.memory_space<vmem>>)
      %add3A_102 = arith.constant 2 : i32
      %add3A_103 = arith.addi %mul3A_74, %add3A_102 : i32
      %lt3A_104 = arith.cmpi slt, %add3A_103, %select_n3A : i32
      %convert_element_type3A_105 = arith.extui %lt3A_104 : i1 to i32
      %cond3A_106 = arith.constant 0 : i32
      %cond3A_107 = arith.cmpi ne, %convert_element_type3A_105, %cond3A_106 : i32
      scf.if %cond3A_107 {
        %dma_wait3A_114 = arith.constant 0 : i32
        %dma_wait3A_115 = arith.constant 0 : i32
        %dma_wait3A_116 = tpu.memref_slice %arg3[%dma_wait3A_114, %dma_wait3A_115] : memref<2x320000xi32, #tpu.memory_space<hbm>> -> memref<1x128xi32, #tpu.memory_space<hbm>>
        %dma_wait3A_117 = tpu.memref_squeeze %dma_wait3A_116 : memref<1x128xi32, #tpu.memory_space<hbm>> -> memref<128xi32, #tpu.memory_space<hbm>>
        %dma_wait3A_118 = arith.constant 0 : i32
        %dma_wait3A_119 = tpu.memref_slice %arg3[%dma_wait3A_114, %dma_wait3A_118] : memref<2x320000xi32, #tpu.memory_space<hbm>> -> memref<1x128xi32, #tpu.memory_space<hbm>>
        %dma_wait3A_120 = tpu.memref_squeeze %dma_wait3A_119 : memref<1x128xi32, #tpu.memory_space<hbm>> -> memref<128xi32, #tpu.memory_space<hbm>>
        tpu.wait_dma2 semaphore(%arg13 : memref<!tpu.dma_semaphore, #tpu.memory_space<semaphore_mem>>) src(%dma_wait3A_120 : memref<128xi32, #tpu.memory_space<hbm>>) dst(%arg6 : memref<128xi32, #tpu.memory_space<vmem>>)
        %dma_wait3A_121 = arith.constant 1 : i32
        %dma_wait3A_122 = arith.constant 0 : i32
        %dma_wait3A_123 = tpu.memref_slice %arg3[%dma_wait3A_121, %dma_wait3A_122] : memref<2x320000xi32, #tpu.memory_space<hbm>> -> memref<1x128xi32, #tpu.memory_space<hbm>>
        %dma_wait3A_124 = tpu.memref_squeeze %dma_wait3A_123 : memref<1x128xi32, #tpu.memory_space<hbm>> -> memref<128xi32, #tpu.memory_space<hbm>>
        %dma_wait3A_125 = arith.constant 0 : i32
        %dma_wait3A_126 = tpu.memref_slice %arg3[%dma_wait3A_121, %dma_wait3A_125] : memref<2x320000xi32, #tpu.memory_space<hbm>> -> memref<1x128xi32, #tpu.memory_space<hbm>>
        %dma_wait3A_127 = tpu.memref_squeeze %dma_wait3A_126 : memref<1x128xi32, #tpu.memory_space<hbm>> -> memref<128xi32, #tpu.memory_space<hbm>>
        tpu.wait_dma2 semaphore(%arg13 : memref<!tpu.dma_semaphore, #tpu.memory_space<semaphore_mem>>) src(%dma_wait3A_127 : memref<128xi32, #tpu.memory_space<hbm>>) dst(%arg7 : memref<128xi32, #tpu.memory_space<vmem>>)
        %dma_start3A_128 = arith.constant 0 : i32
        %dma_start3A_129 = arith.constant 0 : i32
        %dma_start3A_130 = tpu.memref_slice %arg2[%dma_start3A_128, %dma_start3A_129] : memref<10000x144xf32, #tpu.memory_space<hbm>> -> memref<10000x144xf32, #tpu.memory_space<hbm>>
        tpu.enqueue_indirect_dma source(%dma_start3A_130 : memref<10000x144xf32, #tpu.memory_space<hbm>>) target(%arg10 : memref<128x144xf32, #tpu.memory_space<vmem>>) offsets(%arg6 : memref<128xi32, #tpu.memory_space<vmem>>) semaphore(%arg12 : memref<!tpu.dma_semaphore, #tpu.memory_space<semaphore_mem>>)
      } else {
      }
      "tpu.region"() ({
        %run_scoped3A_114 = tpu.sem_alloc : memref<!tpu.dma_semaphore, #tpu.memory_space<semaphore_mem>>
        %dma_start3A_115 = arith.constant 0 : i32
        %dma_start3A_116 = arith.constant 0 : i32
        %dma_start3A_117 = tpu.memref_slice %arg14[%dma_start3A_115, %dma_start3A_116] : memref<10240x144xf32, #tpu.memory_space<vmem_shared>> -> memref<10240x144xf32, #tpu.memory_space<vmem_shared>>
        tpu.enqueue_indirect_dma source(%arg11 : memref<128x144xf32, #tpu.memory_space<vmem>>) target(%dma_start3A_117 : memref<10240x144xf32, #tpu.memory_space<vmem_shared>>) offsets(%arg9 : memref<128xi32, #tpu.memory_space<vmem>>) semaphore(%run_scoped3A_114 : memref<!tpu.dma_semaphore, #tpu.memory_space<semaphore_mem>>) {add = true}
        %dma_wait3A_118 = arith.constant 0 : i32
        %dma_wait3A_119 = arith.constant 0 : i32
        %dma_wait3A_120 = tpu.memref_slice %arg14[%dma_wait3A_118, %dma_wait3A_119] : memref<10240x144xf32, #tpu.memory_space<vmem_shared>> -> memref<10240x144xf32, #tpu.memory_space<vmem_shared>>
        tpu.wait_indirect_dma semaphore(%run_scoped3A_114 : memref<!tpu.dma_semaphore, #tpu.memory_space<semaphore_mem>>) src(%arg11 : memref<128x144xf32, #tpu.memory_space<vmem>>) dst(%dma_wait3A_120 : memref<10240x144xf32, #tpu.memory_space<vmem_shared>>)
        tpu.yield
      }) : () -> ()
      %add3A_108 = arith.constant 3 : i32
      %add3A_109 = arith.addi %mul3A_74, %add3A_108 : i32
      %lt3A_110 = arith.cmpi slt, %add3A_109, %select_n3A : i32
      %convert_element_type3A_111 = arith.extui %lt3A_110 : i1 to i32
      %cond3A_112 = arith.constant 0 : i32
      %cond3A_113 = arith.cmpi ne, %convert_element_type3A_111, %cond3A_112 : i32
      scf.if %cond3A_113 {
        %add3A_114 = arith.constant 3 : i32
        %add3A_115 = arith.addi %mul3A_74, %add3A_114 : i32
        %add3A_116 = arith.addi %select_n3A_16, %add3A_115 : i32
        %mul3A_117 = arith.constant 128 : i32
        %mul3A_118 = arith.muli %add3A_116, %mul3A_117 : i32
        %dma_start3A_119 = arith.constant 0 : i32
        %dma_start3A_120 = tpu.memref_slice %arg3[%dma_start3A_119, %mul3A_118] : memref<2x320000xi32, #tpu.memory_space<hbm>> -> memref<1x128xi32, #tpu.memory_space<hbm>>
        %dma_start3A_121 = tpu.memref_squeeze %dma_start3A_120 : memref<1x128xi32, #tpu.memory_space<hbm>> -> memref<128xi32, #tpu.memory_space<hbm>>
        %dma_start3A_122 = tpu.memref_slice %arg3[%dma_start3A_119, %mul3A_118] : memref<2x320000xi32, #tpu.memory_space<hbm>> -> memref<1x128xi32, #tpu.memory_space<hbm>>
        %dma_start3A_123 = tpu.memref_squeeze %dma_start3A_122 : memref<1x128xi32, #tpu.memory_space<hbm>> -> memref<128xi32, #tpu.memory_space<hbm>>
        tpu.enqueue_dma source(%dma_start3A_123 : memref<128xi32, #tpu.memory_space<hbm>>) target(%arg8 : memref<128xi32, #tpu.memory_space<vmem>>) target_semaphore(%arg13 : memref<!tpu.dma_semaphore, #tpu.memory_space<semaphore_mem>>)
        %dma_start3A_124 = arith.constant 1 : i32
        %dma_start3A_125 = tpu.memref_slice %arg3[%dma_start3A_124, %mul3A_118] : memref<2x320000xi32, #tpu.memory_space<hbm>> -> memref<1x128xi32, #tpu.memory_space<hbm>>
        %dma_start3A_126 = tpu.memref_squeeze %dma_start3A_125 : memref<1x128xi32, #tpu.memory_space<hbm>> -> memref<128xi32, #tpu.memory_space<hbm>>
        %dma_start3A_127 = tpu.memref_slice %arg3[%dma_start3A_124, %mul3A_118] : memref<2x320000xi32, #tpu.memory_space<hbm>> -> memref<1x128xi32, #tpu.memory_space<hbm>>
        %dma_start3A_128 = tpu.memref_squeeze %dma_start3A_127 : memref<1x128xi32, #tpu.memory_space<hbm>> -> memref<128xi32, #tpu.memory_space<hbm>>
        tpu.enqueue_dma source(%dma_start3A_128 : memref<128xi32, #tpu.memory_space<hbm>>) target(%arg9 : memref<128xi32, #tpu.memory_space<vmem>>) target_semaphore(%arg13 : memref<!tpu.dma_semaphore, #tpu.memory_space<semaphore_mem>>)
      } else {
      }
    }
    %while3A_66 = arith.constant 1 : i32
    scf.for %while3A_72 = %while3A_64 to %while3A_60 step %while3A_66  : i32 {
      %mul3A_73 = arith.constant 2 : i32
      %mul3A_74 = arith.muli %mul3A_73, %while3A_72 : i32
      %dma_wait3A = arith.constant 0 : i32
      %dma_wait3A_75 = arith.constant 0 : i32
      %dma_wait3A_76 = tpu.memref_slice %arg3[%dma_wait3A, %dma_wait3A_75] : memref<2x320000xi32, #tpu.memory_space<hbm>> -> memref<1x128xi32, #tpu.memory_space<hbm>>
      %dma_wait3A_77 = tpu.memref_squeeze %dma_wait3A_76 : memref<1x128xi32, #tpu.memory_space<hbm>> -> memref<128xi32, #tpu.memory_space<hbm>>
      %dma_wait3A_78 = arith.constant 0 : i32
      %dma_wait3A_79 = tpu.memref_slice %arg3[%dma_wait3A, %dma_wait3A_78] : memref<2x320000xi32, #tpu.memory_space<hbm>> -> memref<1x128xi32, #tpu.memory_space<hbm>>
      %dma_wait3A_80 = tpu.memref_squeeze %dma_wait3A_79 : memref<1x128xi32, #tpu.memory_space<hbm>> -> memref<128xi32, #tpu.memory_space<hbm>>
      tpu.wait_dma2 semaphore(%arg13 : memref<!tpu.dma_semaphore, #tpu.memory_space<semaphore_mem>>) src(%dma_wait3A_80 : memref<128xi32, #tpu.memory_space<hbm>>) dst(%arg8 : memref<128xi32, #tpu.memory_space<vmem>>)
      %dma_wait3A_81 = arith.constant 1 : i32
      %dma_wait3A_82 = arith.constant 0 : i32
      %dma_wait3A_83 = tpu.memref_slice %arg3[%dma_wait3A_81, %dma_wait3A_82] : memref<2x320000xi32, #tpu.memory_space<hbm>> -> memref<1x128xi32, #tpu.memory_space<hbm>>
      %dma_wait3A_84 = tpu.memref_squeeze %dma_wait3A_83 : memref<1x128xi32, #tpu.memory_space<hbm>> -> memref<128xi32, #tpu.memory_space<hbm>>
      %dma_wait3A_85 = arith.constant 0 : i32
      %dma_wait3A_86 = tpu.memref_slice %arg3[%dma_wait3A_81, %dma_wait3A_85] : memref<2x320000xi32, #tpu.memory_space<hbm>> -> memref<1x128xi32, #tpu.memory_space<hbm>>
      %dma_wait3A_87 = tpu.memref_squeeze %dma_wait3A_86 : memref<1x128xi32, #tpu.memory_space<hbm>> -> memref<128xi32, #tpu.memory_space<hbm>>
      tpu.wait_dma2 semaphore(%arg13 : memref<!tpu.dma_semaphore, #tpu.memory_space<semaphore_mem>>) src(%dma_wait3A_87 : memref<128xi32, #tpu.memory_space<hbm>>) dst(%arg9 : memref<128xi32, #tpu.memory_space<vmem>>)
      %dma_wait3A_88 = arith.constant 0 : i32
      %dma_wait3A_89 = arith.constant 0 : i32
      %dma_wait3A_90 = tpu.memref_slice %arg2[%dma_wait3A_88, %dma_wait3A_89] : memref<10000x144xf32, #tpu.memory_space<hbm>> -> memref<10000x144xf32, #tpu.memory_space<hbm>>
      tpu.wait_indirect_dma semaphore(%arg12 : memref<!tpu.dma_semaphore, #tpu.memory_space<semaphore_mem>>) src(%dma_wait3A_90 : memref<10000x144xf32, #tpu.memory_space<hbm>>) dst(%arg10 : memref<128x144xf32, #tpu.memory_space<vmem>>)
      %dma_start3A_91 = arith.constant 0 : i32
      %dma_start3A_92 = arith.constant 0 : i32
      %dma_start3A_93 = tpu.memref_slice %arg2[%dma_start3A_91, %dma_start3A_92] : memref<10000x144xf32, #tpu.memory_space<hbm>> -> memref<10000x144xf32, #tpu.memory_space<hbm>>
      tpu.enqueue_indirect_dma source(%dma_start3A_93 : memref<10000x144xf32, #tpu.memory_space<hbm>>) target(%arg11 : memref<128x144xf32, #tpu.memory_space<vmem>>) offsets(%arg8 : memref<128xi32, #tpu.memory_space<vmem>>) semaphore(%arg12 : memref<!tpu.dma_semaphore, #tpu.memory_space<semaphore_mem>>)
      "tpu.region"() ({
        %run_scoped3A_114 = tpu.sem_alloc : memref<!tpu.dma_semaphore, #tpu.memory_space<semaphore_mem>>
        %dma_start3A_115 = arith.constant 0 : i32
        %dma_start3A_116 = arith.constant 0 : i32
        %dma_start3A_117 = tpu.memref_slice %arg14[%dma_start3A_115, %dma_start3A_116] : memref<10240x144xf32, #tpu.memory_space<vmem_shared>> -> memref<10240x144xf32, #tpu.memory_space<vmem_shared>>
        tpu.enqueue_indirect_dma source(%arg10 : memref<128x144xf32, #tpu.memory_space<vmem>>) target(%dma_start3A_117 : memref<10240x144xf32, #tpu.memory_space<vmem_shared>>) offsets(%arg7 : memref<128xi32, #tpu.memory_space<vmem>>) semaphore(%run_scoped3A_114 : memref<!tpu.dma_semaphore, #tpu.memory_space<semaphore_mem>>) {add = true}
        %dma_wait3A_118 = arith.constant 0 : i32
        %dma_wait3A_119 = arith.constant 0 : i32
        %dma_wait3A_120 = tpu.memref_slice %arg14[%dma_wait3A_118, %dma_wait3A_119] : memref<10240x144xf32, #tpu.memory_space<vmem_shared>> -> memref<10240x144xf32, #tpu.memory_space<vmem_shared>>
        tpu.wait_indirect_dma semaphore(%run_scoped3A_114 : memref<!tpu.dma_semaphore, #tpu.memory_space<semaphore_mem>>) src(%arg10 : memref<128x144xf32, #tpu.memory_space<vmem>>) dst(%dma_wait3A_120 : memref<10240x144xf32, #tpu.memory_space<vmem_shared>>)
        tpu.yield
      }) : () -> ()
      %add3A_94 = arith.constant 2 : i32
      %add3A_95 = arith.addi %mul3A_74, %add3A_94 : i32
      %lt3A_96 = arith.cmpi slt, %add3A_95, %select_n3A : i32
      %convert_element_type3A_97 = arith.extui %lt3A_96 : i1 to i32
      %cond3A = arith.constant 0 : i32
      %cond3A_98 = arith.cmpi ne, %convert_element_type3A_97, %cond3A : i32
      scf.if %cond3A_98 {
        %add3A_114 = arith.constant 2 : i32
        %add3A_115 = arith.addi %mul3A_74, %add3A_114 : i32
        %add3A_116 = arith.addi %select_n3A_16, %add3A_115 : i32
        %mul3A_117 = arith.constant 128 : i32
        %mul3A_118 = arith.muli %add3A_116, %mul3A_117 : i32
        %dma_start3A_119 = arith.constant 0 : i32
        %dma_start3A_120 = tpu.memref_slice %arg3[%dma_start3A_119, %mul3A_118] : memref<2x320000xi32, #tpu.memory_space<hbm>> -> memref<1x128xi32, #tpu.memory_space<hbm>>
        %dma_start3A_121 = tpu.memref_squeeze %dma_start3A_120 : memref<1x128xi32, #tpu.memory_space<hbm>> -> memref<128xi32, #tpu.memory_space<hbm>>
        %dma_start3A_122 = tpu.memref_slice %arg3[%dma_start3A_119, %mul3A_118] : memref<2x320000xi32, #tpu.memory_space<hbm>> -> memref<1x128xi32, #tpu.memory_space<hbm>>
        %dma_start3A_123 = tpu.memref_squeeze %dma_start3A_122 : memref<1x128xi32, #tpu.memory_space<hbm>> -> memref<128xi32, #tpu.memory_space<hbm>>
        tpu.enqueue_dma source(%dma_start3A_123 : memref<128xi32, #tpu.memory_space<hbm>>) target(%arg6 : memref<128xi32, #tpu.memory_space<vmem>>) target_semaphore(%arg13 : memref<!tpu.dma_semaphore, #tpu.memory_space<semaphore_mem>>)
        %dma_start3A_124 = arith.constant 1 : i32
        %dma_start3A_125 = tpu.memref_slice %arg3[%dma_start3A_124, %mul3A_118] : memref<2x320000xi32, #tpu.memory_space<hbm>> -> memref<1x128xi32, #tpu.memory_space<hbm>>
        %dma_start3A_126 = tpu.memref_squeeze %dma_start3A_125 : memref<1x128xi32, #tpu.memory_space<hbm>> -> memref<128xi32, #tpu.memory_space<hbm>>
        %dma_start3A_127 = tpu.memref_slice %arg3[%dma_start3A_124, %mul3A_118] : memref<2x320000xi32, #tpu.memory_space<hbm>> -> memref<1x128xi32, #tpu.memory_space<hbm>>
        %dma_start3A_128 = tpu.memref_squeeze %dma_start3A_127 : memref<1x128xi32, #tpu.memory_space<hbm>> -> memref<128xi32, #tpu.memory_space<hbm>>
        tpu.enqueue_dma source(%dma_start3A_128 : memref<128xi32, #tpu.memory_space<hbm>>) target(%arg7 : memref<128xi32, #tpu.memory_space<vmem>>) target_semaphore(%arg13 : memref<!tpu.dma_semaphore, #tpu.memory_space<semaphore_mem>>)
      } else {
      }
      %dma_wait3A_99 = arith.constant 0 : i32
      %dma_wait3A_100 = arith.constant 0 : i32
      %dma_wait3A_101 = tpu.memref_slice %arg2[%dma_wait3A_99, %dma_wait3A_100] : memref<10000x144xf32, #tpu.memory_space<hbm>> -> memref<10000x144xf32, #tpu.memory_space<hbm>>
      tpu.wait_indirect_dma semaphore(%arg12 : memref<!tpu.dma_semaphore, #tpu.memory_space<semaphore_mem>>) src(%dma_wait3A_101 : memref<10000x144xf32, #tpu.memory_space<hbm>>) dst(%arg11 : memref<128x144xf32, #tpu.memory_space<vmem>>)
      %add3A_102 = arith.constant 2 : i32
      %add3A_103 = arith.addi %mul3A_74, %add3A_102 : i32
      %lt3A_104 = arith.cmpi slt, %add3A_103, %select_n3A : i32
      %convert_element_type3A_105 = arith.extui %lt3A_104 : i1 to i32
      %cond3A_106 = arith.constant 0 : i32
      %cond3A_107 = arith.cmpi ne, %convert_element_type3A_105, %cond3A_106 : i32
      scf.if %cond3A_107 {
        %dma_wait3A_114 = arith.constant 0 : i32
        %dma_wait3A_115 = arith.constant 0 : i32
        %dma_wait3A_116 = tpu.memref_slice %arg3[%dma_wait3A_114, %dma_wait3A_115] : memref<2x320000xi32, #tpu.memory_space<hbm>> -> memref<1x128xi32, #tpu.memory_space<hbm>>
        %dma_wait3A_117 = tpu.memref_squeeze %dma_wait3A_116 : memref<1x128xi32, #tpu.memory_space<hbm>> -> memref<128xi32, #tpu.memory_space<hbm>>
        %dma_wait3A_118 = arith.constant 0 : i32
        %dma_wait3A_119 = tpu.memref_slice %arg3[%dma_wait3A_114, %dma_wait3A_118] : memref<2x320000xi32, #tpu.memory_space<hbm>> -> memref<1x128xi32, #tpu.memory_space<hbm>>
        %dma_wait3A_120 = tpu.memref_squeeze %dma_wait3A_119 : memref<1x128xi32, #tpu.memory_space<hbm>> -> memref<128xi32, #tpu.memory_space<hbm>>
        tpu.wait_dma2 semaphore(%arg13 : memref<!tpu.dma_semaphore, #tpu.memory_space<semaphore_mem>>) src(%dma_wait3A_120 : memref<128xi32, #tpu.memory_space<hbm>>) dst(%arg6 : memref<128xi32, #tpu.memory_space<vmem>>)
        %dma_wait3A_121 = arith.constant 1 : i32
        %dma_wait3A_122 = arith.constant 0 : i32
        %dma_wait3A_123 = tpu.memref_slice %arg3[%dma_wait3A_121, %dma_wait3A_122] : memref<2x320000xi32, #tpu.memory_space<hbm>> -> memref<1x128xi32, #tpu.memory_space<hbm>>
        %dma_wait3A_124 = tpu.memref_squeeze %dma_wait3A_123 : memref<1x128xi32, #tpu.memory_space<hbm>> -> memref<128xi32, #tpu.memory_space<hbm>>
        %dma_wait3A_125 = arith.constant 0 : i32
        %dma_wait3A_126 = tpu.memref_slice %arg3[%dma_wait3A_121, %dma_wait3A_125] : memref<2x320000xi32, #tpu.memory_space<hbm>> -> memref<1x128xi32, #tpu.memory_space<hbm>>
        %dma_wait3A_127 = tpu.memref_squeeze %dma_wait3A_126 : memref<1x128xi32, #tpu.memory_space<hbm>> -> memref<128xi32, #tpu.memory_space<hbm>>
        tpu.wait_dma2 semaphore(%arg13 : memref<!tpu.dma_semaphore, #tpu.memory_space<semaphore_mem>>) src(%dma_wait3A_127 : memref<128xi32, #tpu.memory_space<hbm>>) dst(%arg7 : memref<128xi32, #tpu.memory_space<vmem>>)
        %dma_start3A_128 = arith.constant 0 : i32
        %dma_start3A_129 = arith.constant 0 : i32
        %dma_start3A_130 = tpu.memref_slice %arg2[%dma_start3A_128, %dma_start3A_129] : memref<10000x144xf32, #tpu.memory_space<hbm>> -> memref<10000x144xf32, #tpu.memory_space<hbm>>
        tpu.enqueue_indirect_dma source(%dma_start3A_130 : memref<10000x144xf32, #tpu.memory_space<hbm>>) target(%arg10 : memref<128x144xf32, #tpu.memory_space<vmem>>) offsets(%arg6 : memref<128xi32, #tpu.memory_space<vmem>>) semaphore(%arg12 : memref<!tpu.dma_semaphore, #tpu.memory_space<semaphore_mem>>)
      } else {
      }
      "tpu.region"() ({
        %run_scoped3A_114 = tpu.sem_alloc : memref<!tpu.dma_semaphore, #tpu.memory_space<semaphore_mem>>
        %dma_start3A_115 = arith.constant 0 : i32
        %dma_start3A_116 = arith.constant 0 : i32
        %dma_start3A_117 = tpu.memref_slice %arg14[%dma_start3A_115, %dma_start3A_116] : memref<10240x144xf32, #tpu.memory_space<vmem_shared>> -> memref<10240x144xf32, #tpu.memory_space<vmem_shared>>
        tpu.enqueue_indirect_dma source(%arg11 : memref<128x144xf32, #tpu.memory_space<vmem>>) target(%dma_start3A_117 : memref<10240x144xf32, #tpu.memory_space<vmem_shared>>) offsets(%arg9 : memref<128xi32, #tpu.memory_space<vmem>>) semaphore(%run_scoped3A_114 : memref<!tpu.dma_semaphore, #tpu.memory_space<semaphore_mem>>) {add = true}
        %dma_wait3A_118 = arith.constant 0 : i32
        %dma_wait3A_119 = arith.constant 0 : i32
        %dma_wait3A_120 = tpu.memref_slice %arg14[%dma_wait3A_118, %dma_wait3A_119] : memref<10240x144xf32, #tpu.memory_space<vmem_shared>> -> memref<10240x144xf32, #tpu.memory_space<vmem_shared>>
        tpu.wait_indirect_dma semaphore(%run_scoped3A_114 : memref<!tpu.dma_semaphore, #tpu.memory_space<semaphore_mem>>) src(%arg11 : memref<128x144xf32, #tpu.memory_space<vmem>>) dst(%dma_wait3A_120 : memref<10240x144xf32, #tpu.memory_space<vmem_shared>>)
        tpu.yield
      }) : () -> ()
      %add3A_108 = arith.constant 3 : i32
      %add3A_109 = arith.addi %mul3A_74, %add3A_108 : i32
      %lt3A_110 = arith.cmpi slt, %add3A_109, %select_n3A : i32
      %convert_element_type3A_111 = arith.extui %lt3A_110 : i1 to i32
      %cond3A_112 = arith.constant 0 : i32
      %cond3A_113 = arith.cmpi ne, %convert_element_type3A_111, %cond3A_112 : i32
      scf.if %cond3A_113 {
        %add3A_114 = arith.constant 3 : i32
        %add3A_115 = arith.addi %mul3A_74, %add3A_114 : i32
        %add3A_116 = arith.addi %select_n3A_16, %add3A_115 : i32
        %mul3A_117 = arith.constant 128 : i32
        %mul3A_118 = arith.muli %add3A_116, %mul3A_117 : i32
        %dma_start3A_119 = arith.constant 0 : i32
        %dma_start3A_120 = tpu.memref_slice %arg3[%dma_start3A_119, %mul3A_118] : memref<2x320000xi32, #tpu.memory_space<hbm>> -> memref<1x128xi32, #tpu.memory_space<hbm>>
        %dma_start3A_121 = tpu.memref_squeeze %dma_start3A_120 : memref<1x128xi32, #tpu.memory_space<hbm>> -> memref<128xi32, #tpu.memory_space<hbm>>
        %dma_start3A_122 = tpu.memref_slice %arg3[%dma_start3A_119, %mul3A_118] : memref<2x320000xi32, #tpu.memory_space<hbm>> -> memref<1x128xi32, #tpu.memory_space<hbm>>
        %dma_start3A_123 = tpu.memref_squeeze %dma_start3A_122 : memref<1x128xi32, #tpu.memory_space<hbm>> -> memref<128xi32, #tpu.memory_space<hbm>>
        tpu.enqueue_dma source(%dma_start3A_123 : memref<128xi32, #tpu.memory_space<hbm>>) target(%arg8 : memref<128xi32, #tpu.memory_space<vmem>>) target_semaphore(%arg13 : memref<!tpu.dma_semaphore, #tpu.memory_space<semaphore_mem>>)
        %dma_start3A_124 = arith.constant 1 : i32
        %dma_start3A_125 = tpu.memref_slice %arg3[%dma_start3A_124, %mul3A_118] : memref<2x320000xi32, #tpu.memory_space<hbm>> -> memref<1x128xi32, #tpu.memory_space<hbm>>
        %dma_start3A_126 = tpu.memref_squeeze %dma_start3A_125 : memref<1x128xi32, #tpu.memory_space<hbm>> -> memref<128xi32, #tpu.memory_space<hbm>>
        %dma_start3A_127 = tpu.memref_slice %arg3[%dma_start3A_124, %mul3A_118] : memref<2x320000xi32, #tpu.memory_space<hbm>> -> memref<1x128xi32, #tpu.memory_space<hbm>>
        %dma_start3A_128 = tpu.memref_squeeze %dma_start3A_127 : memref<1x128xi32, #tpu.memory_space<hbm>> -> memref<128xi32, #tpu.memory_space<hbm>>
        tpu.enqueue_dma source(%dma_start3A_128 : memref<128xi32, #tpu.memory_space<hbm>>) target(%arg9 : memref<128xi32, #tpu.memory_space<vmem>>) target_semaphore(%arg13 : memref<!tpu.dma_semaphore, #tpu.memory_space<semaphore_mem>>)
      } else {
      }
    }
    %barrier3A_67 = arith.constant 0 : index
    tpu.barrier barrier_id(%barrier3A_67)
    %mul3A_68 = arith.constant 640 : i32
    %mul3A_69 = arith.muli %arg1, %mul3A_68 : i32
    %mul3A_70 = arith.constant 640 : i32
    %mul3A_71 = arith.muli %arg1, %mul3A_70 : i32
    "tpu.region"() ({
      %run_scoped3A_72 = tpu.sem_alloc : memref<!tpu.dma_semaphore, #tpu.memory_space<semaphore_mem>>
      %dma_start3A_73 = arith.constant 0 : i32
      %dma_start3A_74 = tpu.memref_slice %arg5[%arg0, %mul3A_71, %dma_start3A_73] : memref<2x10240x144xf32, #tpu.memory_space<hbm>> -> memref<1x640x144xf32, #tpu.memory_space<hbm>>
      %dma_start3A_75 = tpu.memref_squeeze %dma_start3A_74 : memref<1x640x144xf32, #tpu.memory_space<hbm>> -> memref<640x144xf32, #tpu.memory_space<hbm>>
      %dma_start3A_76 = arith.constant 0 : i32
      %dma_start3A_77 = tpu.memref_slice %arg14[%mul3A_69, %dma_start3A_76] : memref<10240x144xf32, #tpu.memory_space<vmem_shared>> -> memref<640x144xf32, #tpu.memory_space<vmem_shared>>
      tpu.enqueue_dma source(%dma_start3A_77 : memref<640x144xf32, #tpu.memory_space<vmem_shared>>) target(%dma_start3A_75 : memref<640x144xf32, #tpu.memory_space<hbm>>) target_semaphore(%run_scoped3A_72 : memref<!tpu.dma_semaphore, #tpu.memory_space<semaphore_mem>>)
      %dma_wait3A = arith.constant 0 : i32
      %dma_wait3A_78 = tpu.memref_slice %arg5[%arg0, %mul3A_71, %dma_wait3A] : memref<2x10240x144xf32, #tpu.memory_space<hbm>> -> memref<1x640x144xf32, #tpu.memory_space<hbm>>
      %dma_wait3A_79 = tpu.memref_squeeze %dma_wait3A_78 : memref<1x640x144xf32, #tpu.memory_space<hbm>> -> memref<640x144xf32, #tpu.memory_space<hbm>>
      %dma_wait3A_80 = arith.constant 0 : i32
      %dma_wait3A_81 = tpu.memref_slice %arg14[%mul3A_69, %dma_wait3A_80] : memref<10240x144xf32, #tpu.memory_space<vmem_shared>> -> memref<640x144xf32, #tpu.memory_space<vmem_shared>>
      tpu.wait_dma2 semaphore(%run_scoped3A_72 : memref<!tpu.dma_semaphore, #tpu.memory_space<semaphore_mem>>) src(%dma_wait3A_81 : memref<640x144xf32, #tpu.memory_space<vmem_shared>>) dst(%dma_wait3A_79 : memref<640x144xf32, #tpu.memory_space<hbm>>)
      tpu.yield
    }) : () -> ()
    return
  }
}

module attributes {stable_mosaic.version = 14 : i64} {
  func.func @_tc_self_body(%arg0: i32, %arg1: memref<2000x128xf32, #tpu.memory_space<vmem>>, %arg2: memref<128x128xf32, #tpu.memory_space<vmem>>, %arg3: memref<1x128xf32, #tpu.memory_space<vmem>>, %arg4: memref<2000x128xf32, #tpu.memory_space<vmem>>) attributes {dimension_semantics = [#tpu.dimension_semantics<arbitrary>], iteration_bounds = array<i64: 5>, scalar_prefetch = 0 : i64, scratch_operands = 0 : i64, tpu.core_type = #tpu.core_type<tc>, window_params = [{transform_indices = @transform_0, window_bounds = array<i64: 2000, 128>}, {pipeline_mode = #tpu.pipeline_mode<synchronous>, transform_indices = @transform_1, window_bounds = array<i64: 128, 128>}, {pipeline_mode = #tpu.pipeline_mode<synchronous>, transform_indices = @transform_2, window_bounds = array<i64: 1, 128>}, {transform_indices = @transform_3, window_bounds = array<i64: 2000, 128>}]} {
    %get3A = arith.constant 0 : index
    %get3A_0 = arith.constant 0 : index
    %get3A_1 = vector.load %arg1[%get3A, %get3A_0] : memref<2000x128xf32, #tpu.memory_space<vmem>>, vector<2000x128xf32>
    %get3A_2 = arith.constant 0 : index
    %get3A_3 = arith.constant 0 : index
    %get3A_4 = vector.load %arg2[%get3A_2, %get3A_3] : memref<128x128xf32, #tpu.memory_space<vmem>>, vector<128x128xf32>
    %dot_general3A = arith.constant dense<0.000000e+00> : vector<2000x128xf32>
    %dot_general3A_5 = tpu.matmul %get3A_1, %get3A_4, %dot_general3A {dimension_numbers = #tpu.dot_dimension_numbers<[1], [1], [0], [0], [0, 0, 1, 0], [], []>, transpose_lhs_hint = false} : vector<2000x128xf32>, vector<128x128xf32>, vector<2000x128xf32> -> vector<2000x128xf32>
    %get3A_6 = arith.constant 0 : index
    %get3A_7 = arith.constant 0 : index
    %get3A_8 = vector.load %arg3[%get3A_6, %get3A_7] : memref<1x128xf32, #tpu.memory_space<vmem>>, vector<1x128xf32>
    %add3A = vector.broadcast %get3A_8 : vector<1x128xf32> to vector<2000x128xf32>
    %add3A_9 = arith.addf %dot_general3A_5, %add3A : vector<2000x128xf32>
    %swap3A = arith.constant 0 : index
    %swap3A_10 = arith.constant 0 : index
    %swap3A_11 = vector.load %arg4[%swap3A, %swap3A_10] : memref<2000x128xf32, #tpu.memory_space<vmem>>, vector<2000x128xf32>
    tpu.vector_store %arg4[%swap3A, %swap3A_10], %add3A_9 {strides = array<i32>} : memref<2000x128xf32, #tpu.memory_space<vmem>>, vector<2000x128xf32>,
    return
  }
  func.func @transform_0(%arg0: i32) -> (i32, i32) {
    %c0_i32 = arith.constant 0 : i32
    %c0_i32_0 = arith.constant 0 : i32
    return %arg0, %c0_i32 : i32, i32
  }
  func.func @transform_1(%arg0: i32) -> (i32, i32) {
    %c0_i32 = arith.constant 0 : i32
    %c0_i32_0 = arith.constant 0 : i32
    %c0_i32_1 = arith.constant 0 : i32
    return %c0_i32, %c0_i32_0 : i32, i32
  }
  func.func @transform_2(%arg0: i32) -> (i32, i32) {
    %c0_i32 = arith.constant 0 : i32
    %c0_i32_0 = arith.constant 0 : i32
    %c0_i32_1 = arith.constant 0 : i32
    return %c0_i32, %c0_i32_0 : i32, i32
  }
  func.func @transform_3(%arg0: i32) -> (i32, i32) {
    %c0_i32 = arith.constant 0 : i32
    %c0_i32_0 = arith.constant 0 : i32
    return %arg0, %c0_i32 : i32, i32
  }
}

module attributes {stable_mosaic.version = 14 : i64} {
  func.func @_tc_combine_body(%arg0: i32, %arg1: memref<2000x144xf32, #tpu.memory_space<vmem>>, %arg2: memref<2000x144xf32, #tpu.memory_space<vmem>>, %arg3: memref<128x128xf32, #tpu.memory_space<vmem>>, %arg4: memref<2000x128xf32, #tpu.memory_space<vmem>>, %arg5: memref<2000x128xf32, #tpu.memory_space<vmem>>) attributes {dimension_semantics = [#tpu.dimension_semantics<arbitrary>], iteration_bounds = array<i64: 5>, scalar_prefetch = 0 : i64, scratch_operands = 0 : i64, tpu.core_type = #tpu.core_type<tc>, window_params = [{transform_indices = @transform_0, window_bounds = array<i64: 2000, 144>}, {transform_indices = @transform_1, window_bounds = array<i64: 2000, 144>}, {pipeline_mode = #tpu.pipeline_mode<synchronous>, transform_indices = @transform_2, window_bounds = array<i64: 128, 128>}, {transform_indices = @transform_3, window_bounds = array<i64: 2000, 128>}, {transform_indices = @transform_4, window_bounds = array<i64: 2000, 128>}]} {
    %get3A = arith.constant 0 : index
    %get3A_0 = arith.constant 0 : index
    %get3A_1 = vector.load %arg1[%get3A, %get3A_0] : memref<2000x144xf32, #tpu.memory_space<vmem>>, vector<2000x144xf32>
    %get3A_2 = arith.constant 0 : index
    %get3A_3 = arith.constant 0 : index
    %get3A_4 = vector.load %arg2[%get3A_2, %get3A_3] : memref<2000x144xf32, #tpu.memory_space<vmem>>, vector<2000x144xf32>
    %add3A = arith.addf %get3A_1, %get3A_4 : vector<2000x144xf32>
    %slice3A = vector.extract_strided_slice %add3A {offsets = [0, 0], sizes = [2000, 128], strides = [1, 1]} : vector<2000x144xf32> to vector<2000x128xf32>
    %slice3A_5 = vector.extract_strided_slice %add3A {offsets = [0, 128], sizes = [2000, 1], strides = [1, 1]} : vector<2000x144xf32> to vector<2000x1xf32>
    %max3A = arith.constant 1.000000e+00 : f32
    %max3A_6 = vector.broadcast %max3A : f32 to vector<2000x1xf32>
    %max3A_7 = arith.maximumf %slice3A_5, %max3A_6 : vector<2000x1xf32>
    %div3A = vector.broadcast %max3A_7 : vector<2000x1xf32> to vector<2000x128xf32>
    %div3A_8 = arith.divf %slice3A, %div3A : vector<2000x128xf32>
    %get3A_9 = arith.constant 0 : index
    %get3A_10 = arith.constant 0 : index
    %get3A_11 = vector.load %arg3[%get3A_9, %get3A_10] : memref<128x128xf32, #tpu.memory_space<vmem>>, vector<128x128xf32>
    %dot_general3A = arith.constant dense<0.000000e+00> : vector<2000x128xf32>
    %dot_general3A_12 = tpu.matmul %div3A_8, %get3A_11, %dot_general3A {dimension_numbers = #tpu.dot_dimension_numbers<[1], [1], [0], [0], [0, 0, 1, 0], [], []>, transpose_lhs_hint = false} : vector<2000x128xf32>, vector<128x128xf32>, vector<2000x128xf32> -> vector<2000x128xf32>
    %get3A_13 = arith.constant 0 : index
    %get3A_14 = arith.constant 0 : index
    %get3A_15 = vector.load %arg4[%get3A_13, %get3A_14] : memref<2000x128xf32, #tpu.memory_space<vmem>>, vector<2000x128xf32>
    %add3A_16 = arith.addf %dot_general3A_12, %get3A_15 : vector<2000x128xf32>
    %swap3A = arith.constant 0 : index
    %swap3A_17 = arith.constant 0 : index
    %swap3A_18 = vector.load %arg5[%swap3A, %swap3A_17] : memref<2000x128xf32, #tpu.memory_space<vmem>>, vector<2000x128xf32>
    tpu.vector_store %arg5[%swap3A, %swap3A_17], %add3A_16 {strides = array<i32>} : memref<2000x128xf32, #tpu.memory_space<vmem>>, vector<2000x128xf32>,
    return
  }
  func.func @transform_0(%arg0: i32) -> (i32, i32) {
    %c0_i32 = arith.constant 0 : i32
    %c0_i32_0 = arith.constant 0 : i32
    return %arg0, %c0_i32 : i32, i32
  }
  func.func @transform_1(%arg0: i32) -> (i32, i32) {
    %c0_i32 = arith.constant 0 : i32
    %c0_i32_0 = arith.constant 0 : i32
    return %arg0, %c0_i32 : i32, i32
  }
  func.func @transform_2(%arg0: i32) -> (i32, i32) {
    %c0_i32 = arith.constant 0 : i32
    %c0_i32_0 = arith.constant 0 : i32
    %c0_i32_1 = arith.constant 0 : i32
    return %c0_i32, %c0_i32_0 : i32, i32
  }
  func.func @transform_3(%arg0: i32) -> (i32, i32) {
    %c0_i32 = arith.constant 0 : i32
    %c0_i32_0 = arith.constant 0 : i32
    return %arg0, %c0_i32 : i32, i32
  }
  func.func @transform_4(%arg0: i32) -> (i32, i32) {
    %c0_i32 = arith.constant 0 : i32
    %c0_i32_0 = arith.constant 0 : i32
    return %arg0, %c0_i32 : i32, i32
  }
}

</mosaic_0001>

<sc_bundles>
// kernel: kernel.5.cloned.1.call-start
scs
__scs_entry_jumppad:
0x0: {  	(pc) =	sbr.rel $0x88, $3  }
0x1: {  	(tag) =	ssettag $0x0;
	lr =	simm.s32 $0x1  }
0x2: {  	[smem:$0x3F9C] =	sst lr;
	_ =	strace $0xD0000000  }
0x3: {  	_ = 	snop  }
0x4: {  	_ = 	snop  }
0x5: {  	_ = 	snop  }
0x6: {  	_ = 	snop  }
0x7: {  	_ = 	snop  }
__scs_overlays_trampoline_lowered:
0x8: {  	[smem:$0x3FAB] =	sst s0  }
0x9: {  	[smem:$0x3FAC] =	sst s1  }
0xa: {  	[smem:$0x3FAD] =	sst s2  }
0xb: {  	[smem:$0x3FAE] =	sst s3  }
0xc: {  	[smem:$0x3FAF] =	sst s4  }
0xd: {  	[smem:$0x3FB0] =	sst s5  }
0xe: {  	[smem:$0x3FB1] =	sst s6  }
0xf: {  	[smem:$0x3FB2] =	sst s7  }
0x10: {  	[smem:$0x3FB3] =	sst s8  }
0x11: {  	[smem:$0x3FB4] =	sst s9;
	s0 =	simm.s32 @!p0 $0x0  }
0x12: {  	s1 =	sld [smem:$0x3F9A];
	s0 =	simm.s32 @p0 $0x1  }
0x13: {  	[smem:$0x3FB5] =	sst s0;
	s0 =	simm.s32 @!p1 $0x0  }
0x14: {  	s2 =	sld [smem:$0x3F99];
	s0 =	simm.s32 @p1 $0x1  }
0x15: {  	[smem:$0x3FB6] =	sst s0;
	s0 =	simm.s32 @!p2 $0x0  }
0x16: {  	s3 =	sld [smem:$0x3FDB];
	s0 =	simm.s32 @p2 $0x1  }
0x17: {  	s4 =	simm.s32 $0x1BF5;
	[smem:$0x3FB8] =	sst s0  }
0x18: {  	s0 =	sld [smem:$0x3F9B];
	_ =	swait.ge [sflag:s4], $0x0  }
0x19: {  	s7 =	sld [smem:$0x3F9C]  }
0x1a: {  	s8 =	sadd.s32 $0xFFFFE003, lr  }
0x1b: {  	s9 =	sadd.s32 $0xFFFFFEF7, lr;
	s5 =	simm.s32 $0xFFFFFFFF;
	p2 =	slt.u32 s8, $0xFFFFF086  }
0x1c: {  	p1 =	slt.u32 s9, $0xF7A;
	s5 =	simm.s32 @!p2 $0x0  }
0x1d: {  	s5 =	simm.s32 @p1 $0x1;
	p0 =	seq.s32 s7, s2  }
0x1e: {  	s7 =	smul.u32 @!p0 $0xF7A, s2;
	p2 =	seq.s32 @!p0 s5, $0x0  }
0x1f: {  	s9 =	smul.u32 $0xF7A, s1;
	s8 =	simm.s32 @!p0 $0x1BF5;
	p2 =	por !p2, p0  }
0x20: {  	[sflag:s8] =	ssyncset.s32 @!p0 $0xFFFFF086;
	s6 =	sadd.s32 @!p0 s3, s7;
	s7 =	simm.s32 @!p0 $0x108  }
0x21: {  	s3 =	sadd.s32 s3, s9;
	s6 =	sadd.s32 @!p0 $0x88, s6;
	s7 =	simm.s32 @p2 $0x1082  }
0x22: {  	[simem:s7], [sflag:s8] =	dma.local @!p0 [hbm:s6], $0xF7A  }
0x23: {  	s9 =	sor.u32 $0xD0000000, s2;
	s6 =	simm.s32 $0x108;
	_ =	swait.ge @!p0 [sflag:s8], $0x0  }
0x24: {  	s3 =	sadd.s32 $0x88, s3;
	s6 =	simm.s32 @!p1 $0x1082;
	[sflag:s4] =	ssyncset.s32 $0xFFFFF086  }
0x25: {  	[simem:s6], [sflag:s4] =	dma.local [hbm:s3], $0xF7A  }
0x26: {  	[smem:$0x3F9C] =	sst s1;
	(tag) =	ssettag s2;
	_ =	strace s9  }
0x27: {  	s1 =	sld [smem:$0x3FAC]  }
0x28: {  	s2 =	sld [smem:$0x3FAD]  }
0x29: {  	s4 =	sld [smem:$0x3FAF]  }
0x2a: {  	p0 =	seq.s32 s5, $0x0;
	s5 =	sld [smem:$0x3FB0]  }
0x2b: {  	s6 =	sld [smem:$0x3FB1]  }
0x2c: {  	s7 =	sld [smem:$0x3FB2]  }
0x2d: {  	s3 =	simm.s32 $0x108;
	s8 =	sld [smem:$0x3FB3]  }
0x2e: {  	s3 =	simm.s32 @!p0 $0x1082;
	s9 =	sld [smem:$0x3FB4]  }
0x2f: {  	lr =	sadd.s32 s0, s3;
	s0 =	sld [smem:$0x3FAB]  }
0x30: {  	s3 =	sld [smem:$0x3FAE]  }
0x31: {  	[smem:$0x3FB7] =	sst s10  }
0x32: {  	s10 =	sld [smem:$0x3FB5];
	_ =	sdelay $0x3  }
0x33: {  	p0 =	seq.s32 s10, $0x1;
	s10 =	sld [smem:$0x3FB7];
	_ =	sdelay $0x3  }
0x34: {  	[smem:$0x3FB7] =	sst s10  }
0x35: {  	s10 =	sld [smem:$0x3FB6];
	_ =	sdelay $0x3  }
0x36: {  	p1 =	seq.s32 s10, $0x1;
	s10 =	sld [smem:$0x3FB7];
	_ =	sdelay $0x3  }
0x37: {  	[smem:$0x3FB7] =	sst s10  }
0x38: {  	s10 =	sld [smem:$0x3FB8]  }
0x39: {  	_ = 	snop;
	(pc) =	sbr.ind lr, $3  }
0x3a: {  	_ = 	snop  }
0x3b: {  	_ = 	snop  }
0x3c: {  	p2 =	seq.s32 s10, $0x1;
	s10 =	sld [smem:$0x3FB7]  }
0x3d: {  	_ =	shalt  }
0x3e: {  	_ =	shalt  }
0x3f: {  	_ =	shalt  }
0x40: {  	_ =	shalt  }
0x41: {  	_ =	shalt  }
0x42: {  	_ =	shalt  }
0x43: {  	_ =	shalt  }
0x44: {  	_ =	shalt  }
0x45: {  	_ =	shalt  }
0x46: {  	_ =	shalt  }
0x47: {  	_ =	shalt  }
0x48: {  	_ =	shalt  }
0x49: {  	_ =	shalt  }
0x4a: {  	_ =	shalt  }
0x4b: {  	_ =	shalt  }
0x4c: {  	_ =	shalt  }
0x4d: {  	_ =	shalt  }
0x4e: {  	_ =	shalt  }
0x4f: {  	_ =	shalt  }
0x50: {  	_ =	shalt  }
0x51: {  	_ =	shalt  }
0x52: {  	_ =	shalt  }
0x53: {  	_ =	shalt  }
0x54: {  	_ =	shalt  }
0x55: {  	_ =	shalt  }
0x56: {  	_ =	shalt  }
0x57: {  	_ =	shalt  }
0x58: {  	_ =	shalt  }
0x59: {  	_ =	shalt  }
0x5a: {  	_ =	shalt  }
0x5b: {  	_ =	shalt  }
0x5c: {  	_ =	shalt  }
0x5d: {  	_ =	shalt  }
0x5e: {  	_ =	shalt  }
0x5f: {  	_ =	shalt  }
0x60: {  	_ =	shalt  }
0x61: {  	_ =	shalt  }
0x62: {  	_ =	shalt  }
0x63: {  	_ =	shalt  }
0x64: {  	_ =	shalt  }
0x65: {  	_ =	shalt  }
0x66: {  	_ =	shalt  }
0x67: {  	_ =	shalt  }
0x68: {  	_ =	shalt  }
0x69: {  	_ =	shalt  }
0x6a: {  	_ =	shalt  }
0x6b: {  	_ =	shalt  }
0x6c: {  	_ =	shalt  }
0x6d: {  	_ =	shalt  }
0x6e: {  	_ =	shalt  }
0x6f: {  	_ =	shalt  }
0x70: {  	_ =	shalt  }
0x71: {  	_ =	shalt  }
0x72: {  	_ =	shalt  }
0x73: {  	_ =	shalt  }
0x74: {  	_ =	shalt  }
0x75: {  	_ =	shalt  }
0x76: {  	_ =	shalt  }
0x77: {  	_ =	shalt  }
0x78: {  	_ =	shalt  }
0x79: {  	_ =	shalt  }
0x7a: {  	_ =	shalt  }
0x7b: {  	_ =	shalt  }
0x7c: {  	_ =	shalt  }
0x7d: {  	_ =	shalt  }
0x7e: {  	_ =	shalt  }
0x7f: {  	_ =	shalt  }
0x80: {  	_ =	shalt  }
0x81: {  	_ =	shalt  }
0x82: {  	_ =	shalt  }
0x83: {  	_ =	shalt  }
0x84: {  	_ =	shalt  }
0x85: {  	_ =	shalt  }
0x86: {  	_ =	shalt  }
0x87: {  	_ =	shalt  }
.Lfunc_end0:
.L_simem_size_0:
called_computation_lowered:
.L_overlay_start_0:
0x88: {  	s2 =	sld [smem:$0x3FD9]  }
0x89: {  	s3 =	sld [smem:$0x3FFE];
	_ =	sdelay $0x1  }
0x8a: {  	s1 =	srdreg.scid  }
0x8b: {  	s0 =	sand.u32 $0x1, s1  }
0x8c: {  	s17 =	sshll.u32 s0, $0xA;
	s2 =	sadd.s32 s3, s2  }
0x8d: {  	s2 =	sadd.s32 s2, s17  }
0x8e: {  	[smem:$0x3FC3] =	sst s2  }
0x8f: {  	_ = 	snop  }
0x90: {  	s2 =	sld [smem:$0x3FD0];
	(tm) =	ssettm $0x1  }
0x91: {  	s18 =	sld [smem:$0x3FFB];
	_ =	sdelay $0x3  }
0x92: {  	_ =	strace s18  }
0x93: {  	s3 =	sld [smem:$0x3FFC];
	_ =	sdelay $0x3  }
0x94: {  	_ =	strace s3  }
0x95: {  	s3 =	sld [smem:$0x3FFD];
	_ =	sdelay $0x3  }
0x96: {  	_ =	strace s3  }
0x97: {  	_ =	strace $0x8FFFFFFF  }
0x98: {  	s19 =	sld [smem:$0x3FDB];
	_ =	sdelay $0x1  }
0x99: {  	s4 =	simm.s32 $_scs_section_size  }
0x9a: {  	s5 =	simm.s32 $_size__tile_overlayer_lowered;
	s6 =	simm.s32 $_tile_overlayer_lowered  }
0x9b: {  	s22 =	simm.s32 $0x1BFF;
	s21 =	sshll.u32 s6, $0x1;
	s3 =	sadd.s32 s4, s19  }
0x9c: {  	s7 =	simm.s32 $0x0;
	s20 =	sshll.u32 s5, $0x1;
	s5 =	sadd.s32 s21, s3  }
0x9d: {  	[timem:s7], [sflag:s22] =	dma.local [hbm:s5], s20  }
0x9e: {  	_ =	swait.ge [sflag:s22], s20  }
0x9f: {  	s4 =	ssub.s32 $0x0, s20;
	[sflag:s22] =	ssyncset.done $0x0  }
0xa0: {  	[sflag:s22] =	ssyncadd.s32 s4;
	_ =	sdelay $0x1  }
0xa1: {  	s23 =	simm.s32 $0x1B8B  }
0xa2: {  	_ =	swait.ge [sflag:s23], $0x1  }
0xa3: {  	[sflag:s23] =	ssyncset.done $0x0  }
0xa4: {  	s25 =	simm.s32 $0x1B8E;
	s24 =	sld [smem:$0x3FFE];
	[sflag:s23] =	ssyncadd.s32 $0xFFFFFFFF  }
0xa5: {  	s26 =	simm.s32 $execute0_lowered;
	[smem:$0x3FD2] =	sst s25  }
0xa6: {  	s5 =	sshll.u32 s26, $0x1;
	_ =	strace $0x80000046;
	[dreg:$0x1] =	wrdreg $0xFFFFFFFF  }
0xa7: {  	s28 =	simm.s32 $_size_execute0_lowered;
	s3 =	sadd.s32 s3, s5;
	[dreg:$0x0] =	wrdreg $0x0  }
0xa8: {  	s5 =	sshll.u32 s28, $0x1;
	[dreg:$0x2] =	wrdreg s3  }
0xa9: {  	[dreg:$0x3] =	wrdreg s5  }
0xaa: {  	[dreg:$0x4] =	wrdreg $0xC0  }
0xab: {  	_ =	task [dreg:s7], $0x5FFFF  }
0xac: {  	[dreg:$0x1] =	wrdreg $0xFFFFFFFF  }
0xad: {  	[dreg:$0x0] =	wrdreg $0x60  }
0xae: {  	[dreg:$0x2] =	wrdreg s24  }
0xaf: {  	[dreg:$0x3] =	wrdreg s2  }
0xb0: {  	[dreg:$0x4] =	wrdreg $0x92000  }
0xb1: {  	[dreg:$0x5] =	wrdreg $0x9  }
0xb2: {  	_ =	task.clear_ibuf [dreg:s7], $0x6FFFF;
	_ =	strace $0x90000046  }
0xb3: {  	s29 =	simm.s32 $0x9;
	_ =	strace $0x80000048  }
0xb4: {  	_ =	swait.ge [sflag:s29], $0x1  }
0xb5: {  	[sflag:s29] =	ssyncadd.s32 $0xFFFFFFFF  }
0xb6: {  	_ =	strace $0x90000048  }
0xb7: {  	_ =	sfence  }
0xb8: {  	s30 =	sld [smem:$0x0];
	_ =	sdelay $0x2  }
0xb9: {  	s31 =	sshll.u32 s1, $0xD;
	s1 =	sshrl.u32 s1, $0x2  }
0xba: {  	s3 =	sand.u32 $0x4000, s31;
	s1 =	sadd.s32 s1, s30  }
0xbb: {  	s0 =	sor.u32 s3, s0;
	s1 =	sshll.u32 s1, $0x11  }
0xbc: {  	s0 =	sor.u32 s1, s0  }
0xbd: {  	s0 =	sadd.s32 $0x8F2B, s0  }
0xbe: {  	[sflag:s0] =	ssyncadd.remote.s32 $0x1  }
0xbf: {  	_ =	sfence.sel $0xFFFF  }
0xc0: {  	[dreg:$0x0] =	wrdreg $0xFFFFFFFF;
	(pc) =	sbr.abs _section_cstart, $3  }
0xc1: {  	[dreg:$0x1] =	wrdreg $0xFFFFFFFF  }
0xc2: {  	_ =	task.clear_ibuf [dreg:s7], $0x2FFFF;
	_ =	strace $0x9FFFFFFF  }
0xc3: {  	(tm) =	ssettm $0x7FFFFFFF  }
tec
execute0_lowered:
.L_overlay_start_1:
0x0: {  	(tag) =	ssettag $0x1  }
0x1: {  	s0 =	rddreg [dreg:$0x0]  }
0x2: {  	s1 =	rddreg [dreg:$0x1]  }
0x3: {  	s3 =	srdreg.scid;
	s12 =	stileid.u32  }
0x4: {  	s2 =	rddreg [dreg:$0x2];
	s19 =	simm.s32 $0x3;
	s20 =	simm.s32 $0x80  }
0x5: {  	s21 =	simm.s32 $0x200;
	s22 =	simm.s32 $0x100;
	s23 =	simm.s32 $0x180  }
0x6: {  	s28 =	simm.s32 $0x0;
	s6 =	sand.u32 $0x1, s3;
	s7 =	smul.u32 $0x16800, s12  }
0x7: {  	s3 =	simm.s32 $0x0;
	s4 =	sadd.s32 $0x1600, s0;
	s9 =	smul.u32 $0x4E, s12  }
0x8: {  	s10 =	smin.u32 s12, $0x2;
	s24 =	sadd.s32 $0x2D600, s0;
	p1 =	sgt.u32 s12, $0x1  }
0x9: {  	s29 =	sshll.u32 s12, $0x6;
	s5 =	smul.u32 $0x168000, s6;
	[smem:$0x7FF] =	sst s3  }
0xa: {  	s25 =	sshll.u32 s10, $0x1;
	s26 =	ssub.s32 $0x2, s6;
	p0 =	seq.s32 s6, $0x0  }
0xb: {  	s6 =	simm.s32 $0x4E;
	_ =	strace $0x80000047;
	[dreg:$0x4] =	wrdreg s24  }
0xc: {  	s11 =	sshrl.u32 s26, $0x1;
	s6 =	simm.s32 @!p1 $0x50;
	s5 =	sadd.s32 s7, s5  }
0xd: {  	s18 =	sadd.s32 s7, s2;
	s24 =	simm.s32 $0x2;
	s8 =	sshrl.u32 s5, $0x3  }
0xe: {  	s13 =	ssub.s32 s26, s11;
	s0 =	sadd.s32 s8, s0;
	s8 =	sadd.s32 s25, s9  }
0xf: {  	s6 =	simm.s32 @p0 $0x4E;
	s18 =	sshrl.u32 s18, $0x3;
	s8 =	sadd.s32 $0x4E0, s8  }
0x10: {  	s26 =	simm.s32 $0x4A00;
	s13 =	smax.u32 s13, $0x1;
	s8 =	smov.u32 @p0 s9  }
0x11: {  	s14 =	sadd.s32 $0xFFFFFFFD, s6;
	s31 =	sshll.u32 s6, $0x4;
	s8 =	sshll.u32 s8, $0x4  }
0x12: {  	s17 =	sadd.s32 $0xFFFFFFE0, s31;
	s25 =	simm.s32 $0x1;
	s7 =	sadd.s32 s1, s8  }
0x13: {  	s12 =	sadd.s32 $0x30400, s0;
	s8 =	sadd.s32 $0x1C03, s29;
	s1 =	sadd.s32 $0x9C40, s7  }
0x14: {  	s30 =	sadd.s32 $0x10, s7;
	s11 =	sadd.s32 $0x9C50, s7;
	[dreg:$0x5] =	wrdreg s1  }
0x15: {  	s15 =	sadd.s32 $0x4F0, s7;
	s16 =	sadd.s32 $0xA130, s7;
	[dreg:$0x6] =	wrdreg s30  }
.LBB2_1:
0x16: {  	s0 =	rddreg [dreg:$0x4]  }
0x17: {  	[spmem:s18], [sflag:s8] =	dma.local [hbm:s0], $0x2D00  }
0x18: {  	_ =	swait.ge [sflag:s19], $0x2D00  }
0x19: {  	[sflag:s19] =	ssyncset.done $0x0  }
0x1a: {  	[sflag:s19] =	ssyncadd.s32 $0xFFFFD300  }
0x1b: {  	[bflag:$0x0] =	sbarrier.arrive $0xFFFF  }
0x1c: {  	[tilespmem:s3], [sflag:$0x3] =	stream.linear.gather [hbm4b:s7+s3], $0x80, $0x38;
	[tilespmem:$0x1FA00] =	vst v63  }
0x1d: {  	_ =	swait.ge [sflag:s19], $0x80  }
0x1e: {  	[sflag:s19] =	ssyncset.done $0x0  }
0x1f: {  	s9 =	rddreg [dreg:$0x5];
	[sflag:s19] =	ssyncadd.s32 $0xFFFFFF80  }
0x20: {  	[tilespmem:s20], [sflag:$0x3] =	stream.linear.gather [hbm4b:s9+s3], $0x80, $0x38;
	[tilespmem:$0x1FA00] =	vst v63  }
0x21: {  	_ =	swait.ge [sflag:s19], $0x80  }
0x22: {  	[sflag:s19] =	ssyncset.done $0x0  }
0x23: {  	[sflag:s19] =	ssyncadd.s32 $0xFFFFFF80  }
0x24: {  	[tilespmem:s21], [sflag:$0x1] =	stream.indirect.gather [hbm4b:s4+s20], $0x90, s3, s20, $0xb8;
	[tilespmem:$0x1FA00] =	vst v63  }
0x25: {  	s10 =	rddreg [dreg:$0x6]  }
0x26: {  	[tilespmem:s22], [sflag:$0x2] =	stream.linear.gather [hbm4b:s10+s3], $0x80, $0x38;
	[tilespmem:$0x1FA00] =	vst v63  }
0x27: {  	_ = 	snop  }
0x28: {  	[tilespmem:s23], [sflag:$0x2] =	stream.linear.gather [hbm4b:s11+s3], $0x80, $0x38;
	[tilespmem:$0x1FA00] =	vst v63  }
0x29: {  	_ =	swait.ge [sflag:s24], $0x80  }
0x2a: {  	[sflag:s24] =	ssyncset.done $0x0  }
0x2b: {  	[sflag:s24] =	ssyncadd.s32 $0xFFFFFF80  }
0x2c: {  	_ =	swait.ge [sflag:s24], $0x80  }
0x2d: {  	[sflag:s24] =	ssyncset.done $0x0  }
0x2e: {  	[sflag:s24] =	ssyncadd.s32 $0xFFFFFF80  }
0x2f: {  	_ =	swait.ge [sflag:s25], $0x4800  }
0x30: {  	[sflag:s25] =	ssyncset.done $0x0  }
0x31: {  	[sflag:s25] =	ssyncadd.s32 $0xFFFFB800  }
0x32: {  	[tilespmem:s26], [sflag:$0x1] =	stream.indirect.gather [hbm4b:s4+s20], $0x90, s22, s20, $0xb8;
	[tilespmem:$0x1FA00] =	vst v63  }
0x33: {  	_ = 	snop  }
0x34: {  	[spmem:s2] =	stream.indirect.scatter.add.f32 [tilespmem:s21], [sflag:$0x3], $0x90, s20, s20, $0xb8;
	[tilespmem:$0x1FA00] =	vst v63  }
0x35: {  	_ =	swait.ge [sflag:s19], $0x4800  }
0x36: {  	p0 =	sle.u32 s6, $0x2;
	[sflag:s19] =	ssyncset.done $0x0  }
0x37: {  	s0 =	simm.s32 @p0 $0x1;
	[sflag:s19] =	ssyncadd.s32 $0xFFFFB800  }
0x38: {  	_ =	swait.ge @p0 [sflag:s0], $0x4800  }
0x39: {  	s1 =	sadd.s32 @!p0 $0x0, s7;
	[sflag:s0] =	ssyncset.done @p0 $0x0  }
0x3a: {  	s29 =	sadd.s32 @!p0 $0x20, s1;
	[sflag:s0] =	ssyncadd.s32 @p0 $0xFFFFB800;
	s0 =	simm.s32 @!p0 $0x0  }
0x3b: {  	[tilespmem:s0], [sflag:$0x2] =	stream.linear.gather @!p0 [hbm4b:s29+s0], $0x80, $0x38;
	[tilespmem:$0x1FA00] =	vst v63  }
0x3c: {  	s30 =	simm.s32 @!p0 $0x1;
	s1 =	sadd.s32 @!p0 $0x9C60, s1;
	s29 =	simm.s32 @!p0 $0x80  }
0x3d: {  	[tilespmem:s29], [sflag:$0x2] =	stream.linear.gather @!p0 [hbm4b:s1+s0], $0x80, $0x38;
	[tilespmem:$0x1FA00] =	vst v63  }
0x3e: {  	_ =	swait.ge @!p0 [sflag:s30], $0x4800  }
0x3f: {  	[sflag:s30] =	ssyncset.done @!p0 $0x0  }
0x40: {  	s1 =	simm.s32 @!p0 $0x2;
	[sflag:s30] =	ssyncadd.s32 @!p0 $0xFFFFB800  }
0x41: {  	_ =	swait.ge @!p0 [sflag:s1], $0x80  }
0x42: {  	[sflag:s1] =	ssyncset.done @!p0 $0x0  }
0x43: {  	[sflag:s1] =	ssyncadd.s32 @!p0 $0xFFFFFF80  }
0x44: {  	_ =	swait.ge @!p0 [sflag:s1], $0x80  }
0x45: {  	[sflag:s1] =	ssyncset.done @!p0 $0x0  }
0x46: {  	[sflag:s1] =	ssyncadd.s32 @!p0 $0xFFFFFF80;
	s1 =	simm.s32 @!p0 $0x200  }
0x47: {  	[tilespmem:s1], [sflag:$0x1] =	stream.indirect.gather @!p0 [hbm4b:s4+s29], $0x90, s0, s29, $0xb8;
	[tilespmem:$0x1FA00] =	vst v63  }
0x48: {  	p1 =	sle.u32 s6, $0x3;
	p0 =	sne.s32 s17, $0x20  }
0x49: {  	[spmem:s2] =	stream.indirect.scatter.add.f32 [tilespmem:s26], [sflag:$0x3], $0x90, s23, s20, $0xb8;
	[tilespmem:$0x1FA00] =	vst v63  }
.Ltmp0:
0x4a: {  	s0 =	sadd.s32 @!p1 $0x0, s7;
	_ =	swait.ge [sflag:s19], $0x4800;
	(pc) =	sbr.rel @!p0 .LBB2_3-.Ltmp0, $4  }
0x4b: {  	s29 =	simm.s32 @!p1 $0x100;
	s1 =	simm.s32 @!p1 $0x0;
	[sflag:s19] =	ssyncset.done $0x0  }
0x4c: {  	s30 =	sadd.s32 @!p1 $0x30, s0;
	s31 =	sadd.s32 @!p1 $0x9C70, s0;
	[sflag:s19] =	ssyncadd.s32 $0xFFFFB800  }
0x4d: {  	[tilespmem:s29], [sflag:$0x2] =	stream.linear.gather @!p1 [hbm4b:s30+s1], $0x80, $0x38;
	[tilespmem:$0x1FA00] =	vst v63  }
0x4e: {  	s0 =	simm.s32 @!p1 $0x180;
	s30 =	simm.s32 $0x20;
	s29 =	simm.s32 $0x2  }
.LBB2_2:
0x4f: {  	[tilespmem:s0], [sflag:$0x2] =	stream.linear.gather @!p1 [hbm4b:s31+s1], $0x80, $0x38;
	[tilespmem:$0x1FA00] =	vst v63  }
0x50: {  	s31 =	smov.u32 s30;
	s30 =	sadd.s32 $0x20, s30;
	_ =	swait.ge [sflag:s24], $0x80  }
0x51: {  	s1 =	smov.u32 s29;
	p0 =	sne.s32 s17, s30;
	[sflag:s24] =	ssyncset.done $0x0  }
0x52: {  	[sflag:s24] =	ssyncadd.s32 $0xFFFFFF80  }
0x53: {  	_ =	swait.ge [sflag:s24], $0x80  }
0x54: {  	[sflag:s24] =	ssyncset.done $0x0  }
0x55: {  	[sflag:s24] =	ssyncadd.s32 $0xFFFFFF80  }
0x56: {  	_ =	swait.ge [sflag:s25], $0x4800  }
0x57: {  	[sflag:s25] =	ssyncset.done $0x0  }
0x58: {  	[sflag:s25] =	ssyncadd.s32 $0xFFFFB800  }
0x59: {  	[tilespmem:s26], [sflag:$0x1] =	stream.indirect.gather [hbm4b:s4+s20], $0x90, s22, s20, $0xb8;
	[tilespmem:$0x1FA00] =	vst v63  }
0x5a: {  	_ = 	snop  }
0x5b: {  	[spmem:s2] =	stream.indirect.scatter.add.f32 [tilespmem:s21], [sflag:$0x3], $0x90, s20, s20, $0xb8;
	[tilespmem:$0x1FA00] =	vst v63  }
0x5c: {  	s29 =	sadd.s32 $0x2, s29;
	_ =	swait.ge [sflag:s19], $0x4800  }
0x5d: {  	p1 =	sge.u32 s29, s6;
	[sflag:s19] =	ssyncset.done $0x0  }
0x5e: {  	s0 =	simm.s32 @p1 $0x1;
	s5 =	sadd.s32 @!p1 s31, s7;
	[sflag:s19] =	ssyncadd.s32 $0xFFFFB800  }
0x5f: {  	s9 =	sadd.s32 @!p1 $0x20, s5;
	s5 =	sadd.s32 @!p1 $0x9C60, s5;
	_ =	swait.ge @p1 [sflag:s0], $0x4800  }
0x60: {  	[sflag:s0] =	ssyncset.done @p1 $0x0  }
0x61: {  	[sflag:s0] =	ssyncadd.s32 @p1 $0xFFFFB800;
	s0 =	simm.s32 @!p1 $0x0  }
0x62: {  	[tilespmem:s0], [sflag:$0x2] =	stream.linear.gather @!p1 [hbm4b:s9+s0], $0x80, $0x38;
	[tilespmem:$0x1FA00] =	vst v63  }
0x63: {  	s10 =	simm.s32 @!p1 $0x1;
	s9 =	simm.s32 @!p1 $0x80  }
0x64: {  	[tilespmem:s9], [sflag:$0x2] =	stream.linear.gather @!p1 [hbm4b:s5+s0], $0x80, $0x38;
	[tilespmem:$0x1FA00] =	vst v63  }
0x65: {  	_ =	swait.ge @!p1 [sflag:s10], $0x4800  }
0x66: {  	[sflag:s10] =	ssyncset.done @!p1 $0x0  }
0x67: {  	s5 =	simm.s32 @!p1 $0x2;
	[sflag:s10] =	ssyncadd.s32 @!p1 $0xFFFFB800  }
0x68: {  	_ =	swait.ge @!p1 [sflag:s5], $0x80  }
0x69: {  	[sflag:s5] =	ssyncset.done @!p1 $0x0  }
0x6a: {  	[sflag:s5] =	ssyncadd.s32 @!p1 $0xFFFFFF80  }
0x6b: {  	_ =	swait.ge @!p1 [sflag:s5], $0x80  }
0x6c: {  	[sflag:s5] =	ssyncset.done @!p1 $0x0  }
0x6d: {  	[sflag:s5] =	ssyncadd.s32 @!p1 $0xFFFFFF80;
	s5 =	simm.s32 @!p1 $0x200  }
0x6e: {  	[tilespmem:s5], [sflag:$0x1] =	stream.indirect.gather @!p1 [hbm4b:s4+s9], $0x90, s0, s9, $0xb8;
	[tilespmem:$0x1FA00] =	vst v63  }
0x6f: {  	s0 =	sadd.s32 $0x3, s1  }
0x70: {  	[spmem:s2] =	stream.indirect.scatter.add.f32 [tilespmem:s26], [sflag:$0x3], $0x90, s23, s20, $0xb8;
	[tilespmem:$0x1FA00] =	vst v63  }
.Ltmp1:
0x71: {  	p1 =	sge.u32 s0, s6;
	_ =	swait.ge [sflag:s19], $0x4800;
	(pc) =	sbr.rel @p0 .LBB2_2-.Ltmp1, $4  }
0x72: {  	s0 =	sadd.s32 @!p1 s31, s7;
	s5 =	simm.s32 @!p1 $0x100;
	[sflag:s19] =	ssyncset.done $0x0  }
0x73: {  	s1 =	simm.s32 @!p1 $0x0;
	s9 =	sadd.s32 @!p1 $0x30, s0;
	[sflag:s19] =	ssyncadd.s32 $0xFFFFB800  }
0x74: {  	[tilespmem:s5], [sflag:$0x2] =	stream.linear.gather @!p1 [hbm4b:s9+s1], $0x80, $0x38;
	[tilespmem:$0x1FA00] =	vst v63  }
0x75: {  	s31 =	sadd.s32 @!p1 $0x9C70, s0;
	s0 =	simm.s32 @!p1 $0x180  }
.LBB2_3:
0x76: {  	[tilespmem:s0], [sflag:$0x2] =	stream.linear.gather @!p1 [hbm4b:s31+s1], $0x80, $0x38;
	[tilespmem:$0x1FA00] =	vst v63  }
0x77: {  	_ =	swait.ge [sflag:s24], $0x80  }
0x78: {  	[sflag:s24] =	ssyncset.done $0x0  }
0x79: {  	[sflag:s24] =	ssyncadd.s32 $0xFFFFFF80  }
0x7a: {  	_ =	swait.ge [sflag:s24], $0x80  }
0x7b: {  	[sflag:s24] =	ssyncset.done $0x0  }
0x7c: {  	[sflag:s24] =	ssyncadd.s32 $0xFFFFFF80  }
0x7d: {  	_ =	swait.ge [sflag:s25], $0x4800  }
0x7e: {  	[sflag:s25] =	ssyncset.done $0x0  }
0x7f: {  	[sflag:s25] =	ssyncadd.s32 $0xFFFFB800  }
0x80: {  	[tilespmem:s26], [sflag:$0x1] =	stream.indirect.gather [hbm4b:s4+s20], $0x90, s22, s20, $0xb8;
	[tilespmem:$0x1FA00] =	vst v63  }
0x81: {  	s31 =	sadd.s32 $0x2, s29  }
0x82: {  	[spmem:s2] =	stream.indirect.scatter.add.f32 [tilespmem:s21], [sflag:$0x3], $0x90, s20, s20, $0xb8;
	[tilespmem:$0x1FA00] =	vst v63  }
0x83: {  	p0 =	slt.u32 s31, s6;
	_ =	swait.ge [sflag:s19], $0x4800  }
0x84: {  	s0 =	sadd.s32 @p0 s30, s7;
	[sflag:s19] =	ssyncset.done $0x0  }
0x85: {  	s5 =	simm.s32 @p0 $0x0;
	s1 =	sadd.s32 @p0 $0x20, s0;
	[sflag:s19] =	ssyncadd.s32 $0xFFFFB800  }
0x86: {  	[tilespmem:s5], [sflag:$0x2] =	stream.linear.gather @p0 [hbm4b:s1+s5], $0x80, $0x38;
	[tilespmem:$0x1FA00] =	vst v63  }
0x87: {  	s0 =	sadd.s32 @p0 $0x9C60, s0;
	s1 =	simm.s32 @p0 $0x80  }
0x88: {  	[tilespmem:s1], [sflag:$0x2] =	stream.linear.gather @p0 [hbm4b:s0+s5], $0x80, $0x38;
	[tilespmem:$0x1FA00] =	vst v63  }
0x89: {  	s0 =	simm.s32 @p0 $0x1  }
0x8a: {  	_ =	swait.ge @p0 [sflag:s0], $0x4800  }
0x8b: {  	[sflag:s0] =	ssyncset.done @p0 $0x0  }
0x8c: {  	[sflag:s0] =	ssyncadd.s32 @p0 $0xFFFFB800;
	s0 =	simm.s32 @p0 $0x2  }
0x8d: {  	_ =	swait.ge @p0 [sflag:s0], $0x80  }
0x8e: {  	[sflag:s0] =	ssyncset.done @p0 $0x0  }
0x8f: {  	[sflag:s0] =	ssyncadd.s32 @p0 $0xFFFFFF80  }
0x90: {  	_ =	swait.ge @p0 [sflag:s0], $0x80  }
0x91: {  	[sflag:s0] =	ssyncset.done @p0 $0x0  }
0x92: {  	[sflag:s0] =	ssyncadd.s32 @p0 $0xFFFFFF80;
	s0 =	simm.s32 @p0 $0x200  }
0x93: {  	[tilespmem:s0], [sflag:$0x1] =	stream.indirect.gather @p0 [hbm4b:s4+s1], $0x90, s5, s1, $0xb8;
	[tilespmem:$0x1FA00] =	vst v63  }
0x94: {  	s0 =	simm.s32 @!p0 $0x1  }
0x95: {  	_ =	swait.ge @!p0 [sflag:s0], $0x4800  }
0x96: {  	[sflag:s0] =	ssyncset.done @!p0 $0x0  }
0x97: {  	[sflag:s0] =	ssyncadd.s32 @!p0 $0xFFFFB800  }
0x98: {  	[spmem:s2] =	stream.indirect.scatter.add.f32 [tilespmem:s26], [sflag:$0x3], $0x90, s23, s20, $0xb8;
	[tilespmem:$0x1FA00] =	vst v63  }
0x99: {  	_ =	swait.ge [sflag:s19], $0x4800  }
0x9a: {  	p0 =	sge.u32 s29, s14;
	[sflag:s19] =	ssyncset.done $0x0  }
0x9b: {  	s0 =	simm.s32 @!p0 $0x0;
	s1 =	simm.s32 @!p0 $0x100;
	[sflag:s19] =	ssyncadd.s32 $0xFFFFB800  }
0x9c: {  	[tilespmem:s1], [sflag:$0x2] =	stream.linear.gather @!p0 [hbm4b:s15+s0], $0x80, $0x38;
	[tilespmem:$0x1FA00] =	vst v63  }
0x9d: {  	s28 =	sadd.s32 $0x1, s28;
	s1 =	simm.s32 @!p0 $0x180  }
0x9e: {  	[tilespmem:s1], [sflag:$0x2] =	stream.linear.gather @!p0 [hbm4b:s16+s0], $0x80, $0x38;
	[tilespmem:$0x1FA00] =	vst v63  }
0x9f: {  	p0 =	sne.s32 s28, s13  }
.Ltmp2:
0xa0: {  	[bflag:$0x0] =	sbarrier.arrive $0xFFFF;
	(pc) =	sbr.rel @p0 .LBB2_1-.Ltmp2, $4  }
0xa1: {  	[hbm:s12], [sflag:s8] =	dma.local [spmem:s18], $0x2D00  }
0xa2: {  	_ =	swait.ge [sflag:s19], $0x2D00  }
0xa3: {  	[sflag:s19] =	ssyncset.done $0x0  }
0xa4: {  	[sflag:s19] =	ssyncadd.s32 $0xFFFFD300  }
0xa5: {  	_ =	sfence.sel $0x180000  }
0xa6: {  	[bflag:$0x0] =	sbarrier.arrive $0xFFFF  }
0xa7: {  	_ =	strace $0x90000047  }
0xa8: {  	s0 =	stileid.u32;
	[bflag:$0x2] =	sbarrier.arrive $0xFFFF  }
0xa9: {  	p0 =	sne.s32 s0, $0x0;
	s0 =	rddreg [dreg:$0x3]  }
0xaa: {  	s0 =	sadd.s32 @!p0 $0x100000, s0  }
0xab: {  	[sflag:s0] =	ssyncadd.tile.s32 @!p0 $0x1;
	_ =	shalt  }
.Lfunc_end2:
_tile_overlayer_lowered:
.L_overlay_start_2:
0xac: {  	(tag) =	ssettag $0x2  }
0xad: {  	s0 =	rddreg [dreg:$0x0];
	s2 =	stileid.u32  }
0xae: {  	s1 =	rddreg [dreg:$0x1];
	p0 =	sne.s32 s2, $0x0  }
0xaf: {  	s3 =	rddreg [dreg:$0x2];
	[bflag:$0x3] =	sbarrier.arrive $0xFFFF;
	s2 =	simm.s32 @!p0 $0x1C03  }
0xb0: {  	[timem:s3], [sflag:s2] =	dma.local @!p0 [hbm:s0], s1  }
0xb1: {  	s0 =	simm.s32 @!p0 $0x3  }
0xb2: {  	_ =	swait.ge @!p0 [sflag:s0], s1  }
0xb3: {  	s1 =	ssub.s32 @!p0 $0x0, s1;
	[sflag:s0] =	ssyncset.done @!p0 $0x0  }
0xb4: {  	[sflag:s0] =	ssyncadd.s32 @!p0 s1  }
0xb5: {  	[bflag:$0x3] =	sbarrier.arrive $0xFFFF  }
0xb6: {  	_ =	shalt  }

</sc_bundles>
